<compile_context>
chip_gen: v7x
topology: tpu7x:2x2x1
jax: 0.10.2.dev20260603
libtpu: 0.0.44.dev20260713+nightly
codegen_flags: <defaults>
</compile_context>

<pallas_src>
import functools

import jax
import jax.numpy as jnp
from jax import lax
from jax.experimental import pallas as pl
from jax.experimental.pallas import tpu as pltpu
from jax.experimental.pallas import tpu_sc as plsc

N_ATOMS = 10000
N_MAP = 320000
NUM_CYCLES = 10000
HIDDEN_DIM = 128
VOCAB = 22
KPAD = 32
NC, NS, L = 2, 16, 16
NW = NC * NS
CHUNK = N_MAP // NW
HBINS = NUM_CYCLES * KPAD
ZCHUNK = HBINS // NS
CHUNKA = 9984
TAIL = N_MAP - NW * CHUNKA
TAILB = NW * CHUNKA


def _sc_hist_body(x_hbm, a2c_hbm, z_hbm, hist0_hbm, hist1_hbm,
                  x_v, av_v, key_v, ones_v, ae_v, keye_v, onese_v,
                  stage_v, hist_sp, sem_x, sem_z, sem_zs, sem_a0, sem_a1,
                  sem_o, sem_sc):
    c = lax.axis_index("c")
    s = lax.axis_index("s")
    w = c * NS + s
    base = w * CHUNKA

    halfa = CHUNKA // 2
    cp_x = pltpu.async_copy(x_hbm, x_v, sem_x)
    cp_a0 = pltpu.async_copy(a2c_hbm.at[:, pl.ds(base, halfa)],
                             av_v.at[:, pl.ds(0, halfa)], sem_a0)
    cp_z = pltpu.async_copy(z_hbm.at[pl.ds(0, ZCHUNK)], stage_v, sem_z)
    cp_a1 = pltpu.async_copy(a2c_hbm.at[:, pl.ds(base + halfa, halfa)],
                             av_v.at[:, pl.ds(halfa, halfa)], sem_a1)
    cp_o = pltpu.async_copy(z_hbm.at[pl.ds(ZCHUNK, CHUNKA)], ones_v, sem_o)

    @pl.when(w == 0)
    def _():
        pltpu.sync_copy(a2c_hbm.at[:, pl.ds(TAILB, TAIL)], ae_v)
        pltpu.sync_copy(z_hbm.at[pl.ds(ZCHUNK, TAIL)], onese_v)

    cp_z.wait()
    cp_zs = pltpu.async_copy(stage_v, hist_sp.at[pl.ds(s * ZCHUNK, ZCHUNK)],
                             sem_zs)
    cp_x.wait()
    cp_a0.wait()

    quart = CHUNKA // 4

    def make_body(hbase):
        def body(i, carry):
            for u in range(4):
                off = hbase + i * 4 * L + u * L
                sv = av_v[0, pl.ds(off, L)]
                tv = plsc.load_gather(x_v, [sv])
                dv = av_v[1, pl.ds(off, L)]
                key_v[pl.ds(off, L)] = dv * KPAD + tv
            return carry
        return body

    fires = []
    lax.fori_loop(0, quart // (4 * L), make_body(0), 0)
    cp_o.wait()
    cp_zs.wait()
    plsc.subcore_barrier()
    fires.append(pltpu.async_copy(ones_v.at[pl.ds(0, quart)],
                                  hist_sp.at[key_v.at[pl.ds(0, quart)]],
                                  sem_sc, add=True))
    lax.fori_loop(0, quart // (4 * L), make_body(quart), 0)
    fires.append(pltpu.async_copy(ones_v.at[pl.ds(quart, quart)],
                                  hist_sp.at[key_v.at[pl.ds(quart, quart)]],
                                  sem_sc, add=True))
    cp_a1.wait()
    for q in range(2, 4):
        lax.fori_loop(0, quart // (4 * L), make_body(q * quart), 0)
        fires.append(pltpu.async_copy(
            ones_v.at[pl.ds(q * quart, quart)],
            hist_sp.at[key_v.at[pl.ds(q * quart, quart)]],
            sem_sc, add=True))

    @pl.when(w == 0)
    def _():
        def tbody(i, carry):
            for u in range(4):
                off = i * 4 * L + u * L
                sv = ae_v[0, pl.ds(off, L)]
                tv = plsc.load_gather(x_v, [sv])
                dv = ae_v[1, pl.ds(off, L)]
                keye_v[pl.ds(off, L)] = dv * KPAD + tv
            return carry

        lax.fori_loop(0, TAIL // (4 * L), tbody, 0)
        pltpu.sync_copy(onese_v, hist_sp.at[keye_v], add=True)

    for f in fires:
        f.wait()
    plsc.subcore_barrier()

    zh = ZCHUNK // 2
    hist_hbm = (hist0_hbm, hist1_hbm)
    for ci in range(NC):
        @pl.when(c == ci)
        def _(ci=ci):
            pltpu.sync_copy(hist_sp.at[pl.ds(s * ZCHUNK, zh)],
                            stage_v.at[pl.ds(0, zh)])
            cp = pltpu.async_copy(stage_v.at[pl.ds(0, zh)],
                                  hist_hbm[ci].at[pl.ds(s * ZCHUNK, zh)],
                                  sem_sc)
            pltpu.sync_copy(hist_sp.at[pl.ds(s * ZCHUNK + zh, zh)],
                            stage_v.at[pl.ds(zh, zh)])
            cp.wait()
            pltpu.sync_copy(stage_v.at[pl.ds(zh, zh)],
                            hist_hbm[ci].at[pl.ds(s * ZCHUNK + zh, zh)])


_SC_HIST_CACHE = []


def _sc_hist(*args):
    if not _SC_HIST_CACHE:
        _SC_HIST_CACHE.append(functools.partial(
            pl.kernel,
            out_type=(jax.ShapeDtypeStruct((HBINS,), jnp.float32),
                      jax.ShapeDtypeStruct((HBINS,), jnp.float32)),
            mesh=plsc.VectorSubcoreMesh(core_axis_name="c",
                                        subcore_axis_name="s",
                                        num_cores=NC, num_subcores=NS),
            compiler_params=pltpu.CompilerParams(needs_layout_passes=False),
            scratch_types=[
                pltpu.VMEM((N_ATOMS,), jnp.int32),
                pltpu.VMEM((2, CHUNKA), jnp.int32),
                pltpu.VMEM((CHUNKA,), jnp.int32),
                pltpu.VMEM((CHUNKA,), jnp.float32),
                pltpu.VMEM((2, TAIL), jnp.int32),
                pltpu.VMEM((TAIL,), jnp.int32),
                pltpu.VMEM((TAIL,), jnp.float32),
                pltpu.VMEM((ZCHUNK,), jnp.float32),
                pltpu.VMEM_SHARED((HBINS,), jnp.float32),
                pltpu.SemaphoreType.DMA,
                pltpu.SemaphoreType.DMA,
                pltpu.SemaphoreType.DMA,
                pltpu.SemaphoreType.DMA,
                pltpu.SemaphoreType.DMA,
                pltpu.SemaphoreType.DMA,
                pltpu.SemaphoreType.DMA,
            ],
        )(_sc_hist_body))
    return _SC_HIST_CACHE[0](*args)


GROUPS = HBINS // 128
GBLK = GROUPS
RBLK = GBLK * 4


def _mm_body(h0_ref, h1_ref, w_ref, o_ref):
    h = h0_ref[...] + h1_ref[...]
    o = jnp.dot(h, w_ref[...], preferred_element_type=jnp.float32)
    o_ref[...] = o.reshape(RBLK, HIDDEN_DIM)


def _tc_matmul(h0, h1, w):
    return pl.pallas_call(
        _mm_body,
        grid=(GROUPS // GBLK,),
        in_specs=[
            pl.BlockSpec((GBLK, 128), lambda i: (i, 0)),
            pl.BlockSpec((GBLK, 128), lambda i: (i, 0)),
            pl.BlockSpec((128, 4 * HIDDEN_DIM), lambda i: (0, 0)),
        ],
        out_specs=pl.BlockSpec((RBLK, HIDDEN_DIM), lambda i: (i, 0)),
        out_shape=jax.ShapeDtypeStruct((NUM_CYCLES, HIDDEN_DIM), jnp.float32),
    )(h0, h1, w)


def kernel(x, atom_to_cycle, emb_weight):
    x = x.astype(jnp.int32)
    a2c = atom_to_cycle.astype(jnp.int32)
    zeros_ones = jnp.concatenate([jnp.zeros((ZCHUNK,), jnp.float32),
                                  jnp.ones((CHUNKA,), jnp.float32)])
    hist0, hist1 = _sc_hist(x, a2c, zeros_ones)
    emb_pad = jnp.concatenate(
        [emb_weight.astype(jnp.float32),
         jnp.zeros((KPAD - VOCAB, HIDDEN_DIM), jnp.float32)], axis=0)
    w = jnp.kron(jnp.eye(4, dtype=jnp.float32), emb_pad)
    return _tc_matmul(hist0.reshape(GROUPS, 128), hist1.reshape(GROUPS, 128),
                      w)

# --- scband reference (transcript-rebuilt; emitter-appended) ---
"""Pipeline reference for scband-cycle-embedding-17368847745439 (READ-ONLY COPY).

The authoritative reference and input builder live on the scoring server;
editing this copy changes nothing except your own understanding.
"""

import jax, jax.numpy as jnp
import numpy as np

N_ATOMS = 10000
N_MAP = 320000
NUM_CYCLES = 10000
HIDDEN_DIM = 128
VOCAB = 22


def setup_inputs(seed: int = 0) -> dict:
    key = jax.random.key(seed)
    k1, k2, k3 = jax.random.split(key, 3)
    x = jax.random.randint(k1, (N_ATOMS,), 0, VOCAB)
    atom_to_cycle = jax.random.randint(k2, (2, N_MAP), 0, NUM_CYCLES)
    emb_weight = jax.random.normal(k3, (VOCAB, HIDDEN_DIM), dtype=jnp.float32)
    return {"x": x, "atom_to_cycle": atom_to_cycle, "emb_weight": emb_weight}


def reference(x, atom_to_cycle, emb_weight):
    # x = self.emb(x)
    h = jnp.take(emb_weight, x, axis=0)
    # x[atom_to_cycle[0]]
    gathered = jnp.take(h, atom_to_cycle[0], axis=0)
    # scatter_sum(..., atom_to_cycle[1], 0)
    out = jax.ops.segment_sum(gathered, atom_to_cycle[1], num_segments=NUM_CYCLES)
    return out

if __name__ == "__main__":
    import jax
    _d = setup_inputs()
    print(jax.jit(kernel)(*tuple(_d.values())))

</pallas_src>

<mosaic_0001>
#map = affine_map<(d0, d1) -> (0)>
#map1 = affine_map<(d0, d1) -> (0, 0)>
module attributes {stable_mosaic.version = 14 : i64} {
  func.func @_sc_hist_body(%arg0: i32, %arg1: i32, %arg2: memref<10000xi32, #tpu.memory_space<hbm>>, %arg3: memref<2x320000xi32, #tpu.memory_space<hbm>>, %arg4: memref<29984xf32, #tpu.memory_space<hbm>>, %arg5: memref<320000xf32, #tpu.memory_space<hbm>>, %arg6: memref<320000xf32, #tpu.memory_space<hbm>>, %arg7: memref<10000xi32, #tpu.memory_space<vmem>>, %arg8: memref<2x9984xi32, #tpu.memory_space<vmem>>, %arg9: memref<9984xi32, #tpu.memory_space<vmem>>, %arg10: memref<9984xf32, #tpu.memory_space<vmem>>, %arg11: memref<2x512xi32, #tpu.memory_space<vmem>>, %arg12: memref<512xi32, #tpu.memory_space<vmem>>, %arg13: memref<512xf32, #tpu.memory_space<vmem>>, %arg14: memref<20000xf32, #tpu.memory_space<vmem>>, %arg15: memref<320000xf32, #tpu.memory_space<vmem_shared>>, %arg16: memref<!tpu.dma_semaphore, #tpu.memory_space<semaphore_mem>>, %arg17: memref<!tpu.dma_semaphore, #tpu.memory_space<semaphore_mem>>, %arg18: memref<!tpu.dma_semaphore, #tpu.memory_space<semaphore_mem>>, %arg19: memref<!tpu.dma_semaphore, #tpu.memory_space<semaphore_mem>>, %arg20: memref<!tpu.dma_semaphore, #tpu.memory_space<semaphore_mem>>, %arg21: memref<!tpu.dma_semaphore, #tpu.memory_space<semaphore_mem>>, %arg22: memref<!tpu.dma_semaphore, #tpu.memory_space<semaphore_mem>>) attributes {dimension_semantics = [#tpu.dimension_semantics<core_parallel>, #tpu.dimension_semantics<subcore_parallel>], iteration_bounds = array<i64: 2, 16>, scalar_prefetch = 0 : i64, scratch_operands = 16 : i64, tpu.core_type = #tpu.core_type<sc_vector_subcore>, window_params = [{transform_indices = #map}, {transform_indices = #map1}, {transform_indices = #map}, {transform_indices = #map}, {transform_indices = #map}]} {
    %mul3A = arith.constant 16 : i32
    %mul3A_0 = arith.muli %arg0, %mul3A : i32
    %add3A = arith.addi %mul3A_0, %arg1 : i32
    %mul3A_1 = arith.constant 9984 : i32
    %mul3A_2 = arith.muli %add3A, %mul3A_1 : i32
    tpu.enqueue_dma source(%arg2 : memref<10000xi32, #tpu.memory_space<hbm>>) target(%arg7 : memref<10000xi32, #tpu.memory_space<vmem>>) target_semaphore(%arg16 : memref<!tpu.dma_semaphore, #tpu.memory_space<semaphore_mem>>)
    %dma_start3A = arith.constant 0 : i32
    %dma_start3A_3 = arith.constant 0 : i32
    %dma_start3A_4 = tpu.memref_slice %arg8[%dma_start3A, %dma_start3A_3] : memref<2x9984xi32, #tpu.memory_space<vmem>> -> memref<2x4992xi32, #tpu.memory_space<vmem>>
    %dma_start3A_5 = arith.constant 0 : i32
    %dma_start3A_6 = tpu.memref_slice %arg3[%dma_start3A_5, %mul3A_2] : memref<2x320000xi32, #tpu.memory_space<hbm>> -> memref<2x4992xi32, #tpu.memory_space<hbm>>
    %dma_start3A_7 = arith.constant 0 : i32
    %dma_start3A_8 = arith.constant 0 : i32
    %dma_start3A_9 = tpu.memref_slice %arg8[%dma_start3A_7, %dma_start3A_8] : memref<2x9984xi32, #tpu.memory_space<vmem>> -> memref<2x4992xi32, #tpu.memory_space<vmem>>
    %dma_start3A_10 = arith.constant 0 : i32
    %dma_start3A_11 = tpu.memref_slice %arg3[%dma_start3A_10, %mul3A_2] : memref<2x320000xi32, #tpu.memory_space<hbm>> -> memref<2x4992xi32, #tpu.memory_space<hbm>>
    tpu.enqueue_dma source(%dma_start3A_11 : memref<2x4992xi32, #tpu.memory_space<hbm>>) target(%dma_start3A_9 : memref<2x4992xi32, #tpu.memory_space<vmem>>) target_semaphore(%arg19 : memref<!tpu.dma_semaphore, #tpu.memory_space<semaphore_mem>>)
    %dma_start3A_12 = arith.constant 0 : i32
    %dma_start3A_13 = tpu.memref_slice %arg4[%dma_start3A_12] : memref<29984xf32, #tpu.memory_space<hbm>> -> memref<20000xf32, #tpu.memory_space<hbm>>
    %dma_start3A_14 = arith.constant 0 : i32
    %dma_start3A_15 = tpu.memref_slice %arg4[%dma_start3A_14] : memref<29984xf32, #tpu.memory_space<hbm>> -> memref<20000xf32, #tpu.memory_space<hbm>>
    tpu.enqueue_dma source(%dma_start3A_15 : memref<20000xf32, #tpu.memory_space<hbm>>) target(%arg14 : memref<20000xf32, #tpu.memory_space<vmem>>) target_semaphore(%arg17 : memref<!tpu.dma_semaphore, #tpu.memory_space<semaphore_mem>>)
    %add3A_16 = arith.constant 4992 : i32
    %add3A_17 = arith.addi %mul3A_2, %add3A_16 : i32
    %dma_start3A_18 = arith.constant 0 : i32
    %dma_start3A_19 = arith.constant 4992 : i32
    %dma_start3A_20 = tpu.memref_slice %arg8[%dma_start3A_18, %dma_start3A_19] : memref<2x9984xi32, #tpu.memory_space<vmem>> -> memref<2x4992xi32, #tpu.memory_space<vmem>>
    %dma_start3A_21 = arith.constant 0 : i32
    %dma_start3A_22 = tpu.memref_slice %arg3[%dma_start3A_21, %add3A_17] : memref<2x320000xi32, #tpu.memory_space<hbm>> -> memref<2x4992xi32, #tpu.memory_space<hbm>>
    %dma_start3A_23 = arith.constant 0 : i32
    %dma_start3A_24 = arith.constant 4992 : i32
    %dma_start3A_25 = tpu.memref_slice %arg8[%dma_start3A_23, %dma_start3A_24] : memref<2x9984xi32, #tpu.memory_space<vmem>> -> memref<2x4992xi32, #tpu.memory_space<vmem>>
    %dma_start3A_26 = arith.constant 0 : i32
    %dma_start3A_27 = tpu.memref_slice %arg3[%dma_start3A_26, %add3A_17] : memref<2x320000xi32, #tpu.memory_space<hbm>> -> memref<2x4992xi32, #tpu.memory_space<hbm>>
    tpu.enqueue_dma source(%dma_start3A_27 : memref<2x4992xi32, #tpu.memory_space<hbm>>) target(%dma_start3A_25 : memref<2x4992xi32, #tpu.memory_space<vmem>>) target_semaphore(%arg20 : memref<!tpu.dma_semaphore, #tpu.memory_space<semaphore_mem>>)
    %dma_start3A_28 = arith.constant 20000 : i32
    %dma_start3A_29 = tpu.memref_slice %arg4[%dma_start3A_28] : memref<29984xf32, #tpu.memory_space<hbm>> -> memref<9984xf32, #tpu.memory_space<hbm>>
    %dma_start3A_30 = arith.constant 20000 : i32
    %dma_start3A_31 = tpu.memref_slice %arg4[%dma_start3A_30] : memref<29984xf32, #tpu.memory_space<hbm>> -> memref<9984xf32, #tpu.memory_space<hbm>>
    tpu.enqueue_dma source(%dma_start3A_31 : memref<9984xf32, #tpu.memory_space<hbm>>) target(%arg10 : memref<9984xf32, #tpu.memory_space<vmem>>) target_semaphore(%arg21 : memref<!tpu.dma_semaphore, #tpu.memory_space<semaphore_mem>>)
    %eq3A = arith.constant 0 : i32
    %eq3A_32 = arith.cmpi eq, %add3A, %eq3A : i32
    %convert_element_type3A = arith.extui %eq3A_32 : i1 to i32
    %cond3A = arith.constant 0 : i32
    %cond3A_33 = arith.cmpi ne, %convert_element_type3A, %cond3A : i32
    scf.if %cond3A_33 {
      "tpu.region"() ({
        %run_scoped3A = tpu.sem_alloc : memref<!tpu.dma_semaphore, #tpu.memory_space<semaphore_mem>>
        %dma_start3A_154 = arith.constant 0 : i32
        %dma_start3A_155 = arith.constant 319488 : i32
        %dma_start3A_156 = tpu.memref_slice %arg3[%dma_start3A_154, %dma_start3A_155] : memref<2x320000xi32, #tpu.memory_space<hbm>> -> memref<2x512xi32, #tpu.memory_space<hbm>>
        %dma_start3A_157 = arith.constant 0 : i32
        %dma_start3A_158 = arith.constant 319488 : i32
        %dma_start3A_159 = tpu.memref_slice %arg3[%dma_start3A_157, %dma_start3A_158] : memref<2x320000xi32, #tpu.memory_space<hbm>> -> memref<2x512xi32, #tpu.memory_space<hbm>>
        tpu.enqueue_dma source(%dma_start3A_159 : memref<2x512xi32, #tpu.memory_space<hbm>>) target(%arg11 : memref<2x512xi32, #tpu.memory_space<vmem>>) target_semaphore(%run_scoped3A : memref<!tpu.dma_semaphore, #tpu.memory_space<semaphore_mem>>)
        %dma_wait3A_160 = arith.constant 0 : i32
        %dma_wait3A_161 = arith.constant 319488 : i32
        %dma_wait3A_162 = tpu.memref_slice %arg3[%dma_wait3A_160, %dma_wait3A_161] : memref<2x320000xi32, #tpu.memory_space<hbm>> -> memref<2x512xi32, #tpu.memory_space<hbm>>
        %dma_wait3A_163 = arith.constant 0 : i32
        %dma_wait3A_164 = arith.constant 319488 : i32
        %dma_wait3A_165 = tpu.memref_slice %arg3[%dma_wait3A_163, %dma_wait3A_164] : memref<2x320000xi32, #tpu.memory_space<hbm>> -> memref<2x512xi32, #tpu.memory_space<hbm>>
        tpu.wait_dma2 semaphore(%run_scoped3A : memref<!tpu.dma_semaphore, #tpu.memory_space<semaphore_mem>>) src(%dma_wait3A_165 : memref<2x512xi32, #tpu.memory_space<hbm>>) dst(%arg11 : memref<2x512xi32, #tpu.memory_space<vmem>>)
        tpu.yield
      }) : () -> ()
      "tpu.region"() ({
        %run_scoped3A = tpu.sem_alloc : memref<!tpu.dma_semaphore, #tpu.memory_space<semaphore_mem>>
        %dma_start3A_154 = arith.constant 20000 : i32
        %dma_start3A_155 = tpu.memref_slice %arg4[%dma_start3A_154] : memref<29984xf32, #tpu.memory_space<hbm>> -> memref<512xf32, #tpu.memory_space<hbm>>
        %dma_start3A_156 = arith.constant 20000 : i32
        %dma_start3A_157 = tpu.memref_slice %arg4[%dma_start3A_156] : memref<29984xf32, #tpu.memory_space<hbm>> -> memref<512xf32, #tpu.memory_space<hbm>>
        tpu.enqueue_dma source(%dma_start3A_157 : memref<512xf32, #tpu.memory_space<hbm>>) target(%arg13 : memref<512xf32, #tpu.memory_space<vmem>>) target_semaphore(%run_scoped3A : memref<!tpu.dma_semaphore, #tpu.memory_space<semaphore_mem>>)
        %dma_wait3A_158 = arith.constant 20000 : i32
        %dma_wait3A_159 = tpu.memref_slice %arg4[%dma_wait3A_158] : memref<29984xf32, #tpu.memory_space<hbm>> -> memref<512xf32, #tpu.memory_space<hbm>>
        %dma_wait3A_160 = arith.constant 20000 : i32
        %dma_wait3A_161 = tpu.memref_slice %arg4[%dma_wait3A_160] : memref<29984xf32, #tpu.memory_space<hbm>> -> memref<512xf32, #tpu.memory_space<hbm>>
        tpu.wait_dma2 semaphore(%run_scoped3A : memref<!tpu.dma_semaphore, #tpu.memory_space<semaphore_mem>>) src(%dma_wait3A_161 : memref<512xf32, #tpu.memory_space<hbm>>) dst(%arg13 : memref<512xf32, #tpu.memory_space<vmem>>)
        tpu.yield
      }) : () -> ()
    } else {
    }
    %dma_wait3A = arith.constant 0 : i32
    %dma_wait3A_34 = tpu.memref_slice %arg4[%dma_wait3A] : memref<29984xf32, #tpu.memory_space<hbm>> -> memref<20000xf32, #tpu.memory_space<hbm>>
    %dma_wait3A_35 = arith.constant 0 : i32
    %dma_wait3A_36 = tpu.memref_slice %arg4[%dma_wait3A_35] : memref<29984xf32, #tpu.memory_space<hbm>> -> memref<20000xf32, #tpu.memory_space<hbm>>
    tpu.wait_dma2 semaphore(%arg17 : memref<!tpu.dma_semaphore, #tpu.memory_space<semaphore_mem>>) src(%dma_wait3A_36 : memref<20000xf32, #tpu.memory_space<hbm>>) dst(%arg14 : memref<20000xf32, #tpu.memory_space<vmem>>)
    %mul3A_37 = arith.constant 20000 : i32
    %mul3A_38 = arith.muli %arg1, %mul3A_37 : i32
    %dma_start3A_39 = tpu.memref_slice %arg15[%mul3A_38] : memref<320000xf32, #tpu.memory_space<vmem_shared>> -> memref<20000xf32, #tpu.memory_space<vmem_shared>>
    %dma_start3A_40 = tpu.memref_slice %arg15[%mul3A_38] : memref<320000xf32, #tpu.memory_space<vmem_shared>> -> memref<20000xf32, #tpu.memory_space<vmem_shared>>
    tpu.enqueue_dma source(%arg14 : memref<20000xf32, #tpu.memory_space<vmem>>) target(%dma_start3A_40 : memref<20000xf32, #tpu.memory_space<vmem_shared>>) target_semaphore(%arg18 : memref<!tpu.dma_semaphore, #tpu.memory_space<semaphore_mem>>)
    tpu.wait_dma2 semaphore(%arg16 : memref<!tpu.dma_semaphore, #tpu.memory_space<semaphore_mem>>) src(%arg2 : memref<10000xi32, #tpu.memory_space<hbm>>) dst(%arg7 : memref<10000xi32, #tpu.memory_space<vmem>>)
    %dma_wait3A_41 = arith.constant 0 : i32
    %dma_wait3A_42 = arith.constant 0 : i32
    %dma_wait3A_43 = tpu.memref_slice %arg8[%dma_wait3A_41, %dma_wait3A_42] : memref<2x9984xi32, #tpu.memory_space<vmem>> -> memref<2x4992xi32, #tpu.memory_space<vmem>>
    %dma_wait3A_44 = arith.constant 0 : i32
    %dma_wait3A_45 = tpu.memref_slice %arg3[%dma_wait3A_44, %mul3A_2] : memref<2x320000xi32, #tpu.memory_space<hbm>> -> memref<2x4992xi32, #tpu.memory_space<hbm>>
    %dma_wait3A_46 = arith.constant 0 : i32
    %dma_wait3A_47 = arith.constant 0 : i32
    %dma_wait3A_48 = tpu.memref_slice %arg8[%dma_wait3A_46, %dma_wait3A_47] : memref<2x9984xi32, #tpu.memory_space<vmem>> -> memref<2x4992xi32, #tpu.memory_space<vmem>>
    %dma_wait3A_49 = arith.constant 0 : i32
    %dma_wait3A_50 = tpu.memref_slice %arg3[%dma_wait3A_49, %mul3A_2] : memref<2x320000xi32, #tpu.memory_space<hbm>> -> memref<2x4992xi32, #tpu.memory_space<hbm>>
    tpu.wait_dma2 semaphore(%arg19 : memref<!tpu.dma_semaphore, #tpu.memory_space<semaphore_mem>>) src(%dma_wait3A_50 : memref<2x4992xi32, #tpu.memory_space<hbm>>) dst(%dma_wait3A_48 : memref<2x4992xi32, #tpu.memory_space<vmem>>)
    %scan3A = arith.constant 0 : i32
    %scan3A_51 = arith.constant 0 : i32
    %scan3A_52 = arith.constant 39 : i32
    %scan3A_53 = arith.addi %scan3A_51, %scan3A_52 : i32
    %scan3A_54 = arith.constant 1 : i32
    scf.for %scan3A_154 = %scan3A_51 to %scan3A_53 step %scan3A_54  : i32 {
      %mul3A_155 = arith.constant 4 : i32
      %mul3A_156 = arith.muli %scan3A_154, %mul3A_155 : i32
      %mul3A_157 = arith.constant 16 : i32
      %mul3A_158 = arith.muli %mul3A_156, %mul3A_157 : i32
      %add3A_159 = arith.constant 0 : i32
      %add3A_160 = arith.addi %add3A_159, %mul3A_158 : i32
      %add3A_161 = arith.constant 0 : i32
      %add3A_162 = arith.addi %add3A_160, %add3A_161 : i32
      %get3A = arith.constant 0 : i32
      %get3A_163 = arith.index_cast %get3A : i32 to index
      %get3A_164 = arith.index_cast %add3A_162 : i32 to index
      %get3A_165 = tpu.vector_load %arg8[%get3A_163, %get3A_164] {strides = array<i32>} : memref<2x9984xi32, #tpu.memory_space<vmem>>, vector<16xi32>,
      %gather3A = tpu.vector_load_idx %arg7[%get3A_165] : memref<10000xi32, #tpu.memory_space<vmem>>[vector<16xi32>], vector<16xi32>,
      %get3A_166 = arith.constant 1 : i32
      %get3A_167 = arith.index_cast %get3A_166 : i32 to index
      %get3A_168 = arith.index_cast %add3A_162 : i32 to index
      %get3A_169 = tpu.vector_load %arg8[%get3A_167, %get3A_168] {strides = array<i32>} : memref<2x9984xi32, #tpu.memory_space<vmem>>, vector<16xi32>,
      %mul3A_170 = arith.constant 32 : i32
      %mul3A_171 = vector.broadcast %mul3A_170 : i32 to vector<16xi32>
      %mul3A_172 = arith.muli %get3A_169, %mul3A_171 : vector<16xi32>
      %add3A_173 = arith.addi %mul3A_172, %gather3A : vector<16xi32>
      %swap3A = arith.index_cast %add3A_162 : i32 to index
      %swap3A_174 = tpu.vector_load %arg9[%swap3A] {strides = array<i32>} : memref<9984xi32, #tpu.memory_space<vmem>>, vector<16xi32>,
      tpu.vector_store %arg9[%swap3A], %add3A_173 {strides = array<i32>} : memref<9984xi32, #tpu.memory_space<vmem>>, vector<16xi32>,
      %mul3A_175 = arith.constant 4 : i32
      %mul3A_176 = arith.muli %scan3A_154, %mul3A_175 : i32
      %mul3A_177 = arith.constant 16 : i32
      %mul3A_178 = arith.muli %mul3A_176, %mul3A_177 : i32
      %add3A_179 = arith.constant 0 : i32
      %add3A_180 = arith.addi %add3A_179, %mul3A_178 : i32
      %add3A_181 = arith.constant 16 : i32
      %add3A_182 = arith.addi %add3A_180, %add3A_181 : i32
      %get3A_183 = arith.constant 0 : i32
      %get3A_184 = arith.index_cast %get3A_183 : i32 to index
      %get3A_185 = arith.index_cast %add3A_182 : i32 to index
      %get3A_186 = tpu.vector_load %arg8[%get3A_184, %get3A_185] {strides = array<i32>} : memref<2x9984xi32, #tpu.memory_space<vmem>>, vector<16xi32>,
      %gather3A_187 = tpu.vector_load_idx %arg7[%get3A_186] : memref<10000xi32, #tpu.memory_space<vmem>>[vector<16xi32>], vector<16xi32>,
      %get3A_188 = arith.constant 1 : i32
      %get3A_189 = arith.index_cast %get3A_188 : i32 to index
      %get3A_190 = arith.index_cast %add3A_182 : i32 to index
      %get3A_191 = tpu.vector_load %arg8[%get3A_189, %get3A_190] {strides = array<i32>} : memref<2x9984xi32, #tpu.memory_space<vmem>>, vector<16xi32>,
      %mul3A_192 = arith.constant 32 : i32
      %mul3A_193 = vector.broadcast %mul3A_192 : i32 to vector<16xi32>
      %mul3A_194 = arith.muli %get3A_191, %mul3A_193 : vector<16xi32>
      %add3A_195 = arith.addi %mul3A_194, %gather3A_187 : vector<16xi32>
      %swap3A_196 = arith.index_cast %add3A_182 : i32 to index
      %swap3A_197 = tpu.vector_load %arg9[%swap3A_196] {strides = array<i32>} : memref<9984xi32, #tpu.memory_space<vmem>>, vector<16xi32>,
      tpu.vector_store %arg9[%swap3A_196], %add3A_195 {strides = array<i32>} : memref<9984xi32, #tpu.memory_space<vmem>>, vector<16xi32>,
      %mul3A_198 = arith.constant 4 : i32
      %mul3A_199 = arith.muli %scan3A_154, %mul3A_198 : i32
      %mul3A_200 = arith.constant 16 : i32
      %mul3A_201 = arith.muli %mul3A_199, %mul3A_200 : i32
      %add3A_202 = arith.constant 0 : i32
      %add3A_203 = arith.addi %add3A_202, %mul3A_201 : i32
      %add3A_204 = arith.constant 32 : i32
      %add3A_205 = arith.addi %add3A_203, %add3A_204 : i32
      %get3A_206 = arith.constant 0 : i32
      %get3A_207 = arith.index_cast %get3A_206 : i32 to index
      %get3A_208 = arith.index_cast %add3A_205 : i32 to index
      %get3A_209 = tpu.vector_load %arg8[%get3A_207, %get3A_208] {strides = array<i32>} : memref<2x9984xi32, #tpu.memory_space<vmem>>, vector<16xi32>,
      %gather3A_210 = tpu.vector_load_idx %arg7[%get3A_209] : memref<10000xi32, #tpu.memory_space<vmem>>[vector<16xi32>], vector<16xi32>,
      %get3A_211 = arith.constant 1 : i32
      %get3A_212 = arith.index_cast %get3A_211 : i32 to index
      %get3A_213 = arith.index_cast %add3A_205 : i32 to index
      %get3A_214 = tpu.vector_load %arg8[%get3A_212, %get3A_213] {strides = array<i32>} : memref<2x9984xi32, #tpu.memory_space<vmem>>, vector<16xi32>,
      %mul3A_215 = arith.constant 32 : i32
      %mul3A_216 = vector.broadcast %mul3A_215 : i32 to vector<16xi32>
      %mul3A_217 = arith.muli %get3A_214, %mul3A_216 : vector<16xi32>
      %add3A_218 = arith.addi %mul3A_217, %gather3A_210 : vector<16xi32>
      %swap3A_219 = arith.index_cast %add3A_205 : i32 to index
      %swap3A_220 = tpu.vector_load %arg9[%swap3A_219] {strides = array<i32>} : memref<9984xi32, #tpu.memory_space<vmem>>, vector<16xi32>,
      tpu.vector_store %arg9[%swap3A_219], %add3A_218 {strides = array<i32>} : memref<9984xi32, #tpu.memory_space<vmem>>, vector<16xi32>,
      %mul3A_221 = arith.constant 4 : i32
      %mul3A_222 = arith.muli %scan3A_154, %mul3A_221 : i32
      %mul3A_223 = arith.constant 16 : i32
      %mul3A_224 = arith.muli %mul3A_222, %mul3A_223 : i32
      %add3A_225 = arith.constant 0 : i32
      %add3A_226 = arith.addi %add3A_225, %mul3A_224 : i32
      %add3A_227 = arith.constant 48 : i32
      %add3A_228 = arith.addi %add3A_226, %add3A_227 : i32
      %get3A_229 = arith.constant 0 : i32
      %get3A_230 = arith.index_cast %get3A_229 : i32 to index
      %get3A_231 = arith.index_cast %add3A_228 : i32 to index
      %get3A_232 = tpu.vector_load %arg8[%get3A_230, %get3A_231] {strides = array<i32>} : memref<2x9984xi32, #tpu.memory_space<vmem>>, vector<16xi32>,
      %gather3A_233 = tpu.vector_load_idx %arg7[%get3A_232] : memref<10000xi32, #tpu.memory_space<vmem>>[vector<16xi32>], vector<16xi32>,
      %get3A_234 = arith.constant 1 : i32
      %get3A_235 = arith.index_cast %get3A_234 : i32 to index
      %get3A_236 = arith.index_cast %add3A_228 : i32 to index
      %get3A_237 = tpu.vector_load %arg8[%get3A_235, %get3A_236] {strides = array<i32>} : memref<2x9984xi32, #tpu.memory_space<vmem>>, vector<16xi32>,
      %mul3A_238 = arith.constant 32 : i32
      %mul3A_239 = vector.broadcast %mul3A_238 : i32 to vector<16xi32>
      %mul3A_240 = arith.muli %get3A_237, %mul3A_239 : vector<16xi32>
      %add3A_241 = arith.addi %mul3A_240, %gather3A_233 : vector<16xi32>
      %swap3A_242 = arith.index_cast %add3A_228 : i32 to index
      %swap3A_243 = tpu.vector_load %arg9[%swap3A_242] {strides = array<i32>} : memref<9984xi32, #tpu.memory_space<vmem>>, vector<16xi32>,
      tpu.vector_store %arg9[%swap3A_242], %add3A_241 {strides = array<i32>} : memref<9984xi32, #tpu.memory_space<vmem>>, vector<16xi32>,
    }
    %scan3A_55 = arith.constant 39 : i32
    %dma_wait3A_56 = arith.constant 20000 : i32
    %dma_wait3A_57 = tpu.memref_slice %arg4[%dma_wait3A_56] : memref<29984xf32, #tpu.memory_space<hbm>> -> memref<9984xf32, #tpu.memory_space<hbm>>
    %dma_wait3A_58 = arith.constant 20000 : i32
    %dma_wait3A_59 = tpu.memref_slice %arg4[%dma_wait3A_58] : memref<29984xf32, #tpu.memory_space<hbm>> -> memref<9984xf32, #tpu.memory_space<hbm>>
    tpu.wait_dma2 semaphore(%arg21 : memref<!tpu.dma_semaphore, #tpu.memory_space<semaphore_mem>>) src(%dma_wait3A_59 : memref<9984xf32, #tpu.memory_space<hbm>>) dst(%arg10 : memref<9984xf32, #tpu.memory_space<vmem>>)
    %dma_wait3A_60 = tpu.memref_slice %arg15[%mul3A_38] : memref<320000xf32, #tpu.memory_space<vmem_shared>> -> memref<20000xf32, #tpu.memory_space<vmem_shared>>
    %dma_wait3A_61 = tpu.memref_slice %arg15[%mul3A_38] : memref<320000xf32, #tpu.memory_space<vmem_shared>> -> memref<20000xf32, #tpu.memory_space<vmem_shared>>
    tpu.wait_dma2 semaphore(%arg18 : memref<!tpu.dma_semaphore, #tpu.memory_space<semaphore_mem>>) src(%arg14 : memref<20000xf32, #tpu.memory_space<vmem>>) dst(%dma_wait3A_61 : memref<20000xf32, #tpu.memory_space<vmem_shared>>)
    %barrier3A = arith.constant 0 : index
    tpu.barrier barrier_id(%barrier3A)
    %dma_start3A_62 = arith.constant 0 : i32
    %dma_start3A_63 = tpu.memref_slice %arg10[%dma_start3A_62] : memref<9984xf32, #tpu.memory_space<vmem>> -> memref<2496xf32, #tpu.memory_space<vmem>>
    %dma_start3A_64 = arith.constant 0 : i32
    %dma_start3A_65 = tpu.memref_slice %arg9[%dma_start3A_64] : memref<9984xi32, #tpu.memory_space<vmem>> -> memref<2496xi32, #tpu.memory_space<vmem>>
    %dma_start3A_66 = arith.constant 0 : i32
    %dma_start3A_67 = tpu.memref_slice %arg15[%dma_start3A_66] : memref<320000xf32, #tpu.memory_space<vmem_shared>> -> memref<320000xf32, #tpu.memory_space<vmem_shared>>
    tpu.enqueue_indirect_dma source(%dma_start3A_63 : memref<2496xf32, #tpu.memory_space<vmem>>) target(%dma_start3A_67 : memref<320000xf32, #tpu.memory_space<vmem_shared>>) offsets(%dma_start3A_65 : memref<2496xi32, #tpu.memory_space<vmem>>) semaphore(%arg22 : memref<!tpu.dma_semaphore, #tpu.memory_space<semaphore_mem>>) {add = true}
    %scan3A_68 = arith.constant 0 : i32
    %scan3A_69 = arith.constant 0 : i32
    %scan3A_70 = arith.constant 39 : i32
    %scan3A_71 = arith.addi %scan3A_69, %scan3A_70 : i32
    %scan3A_72 = arith.constant 1 : i32
    scf.for %scan3A_154 = %scan3A_69 to %scan3A_71 step %scan3A_72  : i32 {
      %mul3A_155 = arith.constant 4 : i32
      %mul3A_156 = arith.muli %scan3A_154, %mul3A_155 : i32
      %mul3A_157 = arith.constant 16 : i32
      %mul3A_158 = arith.muli %mul3A_156, %mul3A_157 : i32
      %add3A_159 = arith.constant 2496 : i32
      %add3A_160 = arith.addi %add3A_159, %mul3A_158 : i32
      %add3A_161 = arith.constant 0 : i32
      %add3A_162 = arith.addi %add3A_160, %add3A_161 : i32
      %get3A = arith.constant 0 : i32
      %get3A_163 = arith.index_cast %get3A : i32 to index
      %get3A_164 = arith.index_cast %add3A_162 : i32 to index
      %get3A_165 = tpu.vector_load %arg8[%get3A_163, %get3A_164] {strides = array<i32>} : memref<2x9984xi32, #tpu.memory_space<vmem>>, vector<16xi32>,
      %gather3A = tpu.vector_load_idx %arg7[%get3A_165] : memref<10000xi32, #tpu.memory_space<vmem>>[vector<16xi32>], vector<16xi32>,
      %get3A_166 = arith.constant 1 : i32
      %get3A_167 = arith.index_cast %get3A_166 : i32 to index
      %get3A_168 = arith.index_cast %add3A_162 : i32 to index
      %get3A_169 = tpu.vector_load %arg8[%get3A_167, %get3A_168] {strides = array<i32>} : memref<2x9984xi32, #tpu.memory_space<vmem>>, vector<16xi32>,
      %mul3A_170 = arith.constant 32 : i32
      %mul3A_171 = vector.broadcast %mul3A_170 : i32 to vector<16xi32>
      %mul3A_172 = arith.muli %get3A_169, %mul3A_171 : vector<16xi32>
      %add3A_173 = arith.addi %mul3A_172, %gather3A : vector<16xi32>
      %swap3A = arith.index_cast %add3A_162 : i32 to index
      %swap3A_174 = tpu.vector_load %arg9[%swap3A] {strides = array<i32>} : memref<9984xi32, #tpu.memory_space<vmem>>, vector<16xi32>,
      tpu.vector_store %arg9[%swap3A], %add3A_173 {strides = array<i32>} : memref<9984xi32, #tpu.memory_space<vmem>>, vector<16xi32>,
      %mul3A_175 = arith.constant 4 : i32
      %mul3A_176 = arith.muli %scan3A_154, %mul3A_175 : i32
      %mul3A_177 = arith.constant 16 : i32
      %mul3A_178 = arith.muli %mul3A_176, %mul3A_177 : i32
      %add3A_179 = arith.constant 2496 : i32
      %add3A_180 = arith.addi %add3A_179, %mul3A_178 : i32
      %add3A_181 = arith.constant 16 : i32
      %add3A_182 = arith.addi %add3A_180, %add3A_181 : i32
      %get3A_183 = arith.constant 0 : i32
      %get3A_184 = arith.index_cast %get3A_183 : i32 to index
      %get3A_185 = arith.index_cast %add3A_182 : i32 to index
      %get3A_186 = tpu.vector_load %arg8[%get3A_184, %get3A_185] {strides = array<i32>} : memref<2x9984xi32, #tpu.memory_space<vmem>>, vector<16xi32>,
      %gather3A_187 = tpu.vector_load_idx %arg7[%get3A_186] : memref<10000xi32, #tpu.memory_space<vmem>>[vector<16xi32>], vector<16xi32>,
      %get3A_188 = arith.constant 1 : i32
      %get3A_189 = arith.index_cast %get3A_188 : i32 to index
      %get3A_190 = arith.index_cast %add3A_182 : i32 to index
      %get3A_191 = tpu.vector_load %arg8[%get3A_189, %get3A_190] {strides = array<i32>} : memref<2x9984xi32, #tpu.memory_space<vmem>>, vector<16xi32>,
      %mul3A_192 = arith.constant 32 : i32
      %mul3A_193 = vector.broadcast %mul3A_192 : i32 to vector<16xi32>
      %mul3A_194 = arith.muli %get3A_191, %mul3A_193 : vector<16xi32>
      %add3A_195 = arith.addi %mul3A_194, %gather3A_187 : vector<16xi32>
      %swap3A_196 = arith.index_cast %add3A_182 : i32 to index
      %swap3A_197 = tpu.vector_load %arg9[%swap3A_196] {strides = array<i32>} : memref<9984xi32, #tpu.memory_space<vmem>>, vector<16xi32>,
      tpu.vector_store %arg9[%swap3A_196], %add3A_195 {strides = array<i32>} : memref<9984xi32, #tpu.memory_space<vmem>>, vector<16xi32>,
      %mul3A_198 = arith.constant 4 : i32
      %mul3A_199 = arith.muli %scan3A_154, %mul3A_198 : i32
      %mul3A_200 = arith.constant 16 : i32
      %mul3A_201 = arith.muli %mul3A_199, %mul3A_200 : i32
      %add3A_202 = arith.constant 2496 : i32
      %add3A_203 = arith.addi %add3A_202, %mul3A_201 : i32
      %add3A_204 = arith.constant 32 : i32
      %add3A_205 = arith.addi %add3A_203, %add3A_204 : i32
      %get3A_206 = arith.constant 0 : i32
      %get3A_207 = arith.index_cast %get3A_206 : i32 to index
      %get3A_208 = arith.index_cast %add3A_205 : i32 to index
      %get3A_209 = tpu.vector_load %arg8[%get3A_207, %get3A_208] {strides = array<i32>} : memref<2x9984xi32, #tpu.memory_space<vmem>>, vector<16xi32>,
      %gather3A_210 = tpu.vector_load_idx %arg7[%get3A_209] : memref<10000xi32, #tpu.memory_space<vmem>>[vector<16xi32>], vector<16xi32>,
      %get3A_211 = arith.constant 1 : i32
      %get3A_212 = arith.index_cast %get3A_211 : i32 to index
      %get3A_213 = arith.index_cast %add3A_205 : i32 to index
      %get3A_214 = tpu.vector_load %arg8[%get3A_212, %get3A_213] {strides = array<i32>} : memref<2x9984xi32, #tpu.memory_space<vmem>>, vector<16xi32>,
      %mul3A_215 = arith.constant 32 : i32
      %mul3A_216 = vector.broadcast %mul3A_215 : i32 to vector<16xi32>
      %mul3A_217 = arith.muli %get3A_214, %mul3A_216 : vector<16xi32>
      %add3A_218 = arith.addi %mul3A_217, %gather3A_210 : vector<16xi32>
      %swap3A_219 = arith.index_cast %add3A_205 : i32 to index
      %swap3A_220 = tpu.vector_load %arg9[%swap3A_219] {strides = array<i32>} : memref<9984xi32, #tpu.memory_space<vmem>>, vector<16xi32>,
      tpu.vector_store %arg9[%swap3A_219], %add3A_218 {strides = array<i32>} : memref<9984xi32, #tpu.memory_space<vmem>>, vector<16xi32>,
      %mul3A_221 = arith.constant 4 : i32
      %mul3A_222 = arith.muli %scan3A_154, %mul3A_221 : i32
      %mul3A_223 = arith.constant 16 : i32
      %mul3A_224 = arith.muli %mul3A_222, %mul3A_223 : i32
      %add3A_225 = arith.constant 2496 : i32
      %add3A_226 = arith.addi %add3A_225, %mul3A_224 : i32
      %add3A_227 = arith.constant 48 : i32
      %add3A_228 = arith.addi %add3A_226, %add3A_227 : i32
      %get3A_229 = arith.constant 0 : i32
      %get3A_230 = arith.index_cast %get3A_229 : i32 to index
      %get3A_231 = arith.index_cast %add3A_228 : i32 to index
      %get3A_232 = tpu.vector_load %arg8[%get3A_230, %get3A_231] {strides = array<i32>} : memref<2x9984xi32, #tpu.memory_space<vmem>>, vector<16xi32>,
      %gather3A_233 = tpu.vector_load_idx %arg7[%get3A_232] : memref<10000xi32, #tpu.memory_space<vmem>>[vector<16xi32>], vector<16xi32>,
      %get3A_234 = arith.constant 1 : i32
      %get3A_235 = arith.index_cast %get3A_234 : i32 to index
      %get3A_236 = arith.index_cast %add3A_228 : i32 to index
      %get3A_237 = tpu.vector_load %arg8[%get3A_235, %get3A_236] {strides = array<i32>} : memref<2x9984xi32, #tpu.memory_space<vmem>>, vector<16xi32>,
      %mul3A_238 = arith.constant 32 : i32
      %mul3A_239 = vector.broadcast %mul3A_238 : i32 to vector<16xi32>
      %mul3A_240 = arith.muli %get3A_237, %mul3A_239 : vector<16xi32>
      %add3A_241 = arith.addi %mul3A_240, %gather3A_233 : vector<16xi32>
      %swap3A_242 = arith.index_cast %add3A_228 : i32 to index
      %swap3A_243 = tpu.vector_load %arg9[%swap3A_242] {strides = array<i32>} : memref<9984xi32, #tpu.memory_space<vmem>>, vector<16xi32>,
      tpu.vector_store %arg9[%swap3A_242], %add3A_241 {strides = array<i32>} : memref<9984xi32, #tpu.memory_space<vmem>>, vector<16xi32>,
    }
    %scan3A_73 = arith.constant 39 : i32
    %dma_start3A_74 = arith.constant 2496 : i32
    %dma_start3A_75 = tpu.memref_slice %arg10[%dma_start3A_74] : memref<9984xf32, #tpu.memory_space<vmem>> -> memref<2496xf32, #tpu.memory_space<vmem>>
    %dma_start3A_76 = arith.constant 2496 : i32
    %dma_start3A_77 = tpu.memref_slice %arg9[%dma_start3A_76] : memref<9984xi32, #tpu.memory_space<vmem>> -> memref<2496xi32, #tpu.memory_space<vmem>>
    %dma_start3A_78 = arith.constant 0 : i32
    %dma_start3A_79 = tpu.memref_slice %arg15[%dma_start3A_78] : memref<320000xf32, #tpu.memory_space<vmem_shared>> -> memref<320000xf32, #tpu.memory_space<vmem_shared>>
    tpu.enqueue_indirect_dma source(%dma_start3A_75 : memref<2496xf32, #tpu.memory_space<vmem>>) target(%dma_start3A_79 : memref<320000xf32, #tpu.memory_space<vmem_shared>>) offsets(%dma_start3A_77 : memref<2496xi32, #tpu.memory_space<vmem>>) semaphore(%arg22 : memref<!tpu.dma_semaphore, #tpu.memory_space<semaphore_mem>>) {add = true}
    %dma_wait3A_80 = arith.constant 0 : i32
    %dma_wait3A_81 = arith.constant 4992 : i32
    %dma_wait3A_82 = tpu.memref_slice %arg8[%dma_wait3A_80, %dma_wait3A_81] : memref<2x9984xi32, #tpu.memory_space<vmem>> -> memref<2x4992xi32, #tpu.memory_space<vmem>>
    %dma_wait3A_83 = arith.constant 0 : i32
    %dma_wait3A_84 = tpu.memref_slice %arg3[%dma_wait3A_83, %add3A_17] : memref<2x320000xi32, #tpu.memory_space<hbm>> -> memref<2x4992xi32, #tpu.memory_space<hbm>>
    %dma_wait3A_85 = arith.constant 0 : i32
    %dma_wait3A_86 = arith.constant 4992 : i32
    %dma_wait3A_87 = tpu.memref_slice %arg8[%dma_wait3A_85, %dma_wait3A_86] : memref<2x9984xi32, #tpu.memory_space<vmem>> -> memref<2x4992xi32, #tpu.memory_space<vmem>>
    %dma_wait3A_88 = arith.constant 0 : i32
    %dma_wait3A_89 = tpu.memref_slice %arg3[%dma_wait3A_88, %add3A_17] : memref<2x320000xi32, #tpu.memory_space<hbm>> -> memref<2x4992xi32, #tpu.memory_space<hbm>>
    tpu.wait_dma2 semaphore(%arg20 : memref<!tpu.dma_semaphore, #tpu.memory_space<semaphore_mem>>) src(%dma_wait3A_89 : memref<2x4992xi32, #tpu.memory_space<hbm>>) dst(%dma_wait3A_87 : memref<2x4992xi32, #tpu.memory_space<vmem>>)
    %scan3A_90 = arith.constant 0 : i32
    %scan3A_91 = arith.constant 0 : i32
    %scan3A_92 = arith.constant 39 : i32
    %scan3A_93 = arith.addi %scan3A_91, %scan3A_92 : i32
    %scan3A_94 = arith.constant 1 : i32
    scf.for %scan3A_154 = %scan3A_91 to %scan3A_93 step %scan3A_94  : i32 {
      %mul3A_155 = arith.constant 4 : i32
      %mul3A_156 = arith.muli %scan3A_154, %mul3A_155 : i32
      %mul3A_157 = arith.constant 16 : i32
      %mul3A_158 = arith.muli %mul3A_156, %mul3A_157 : i32
      %add3A_159 = arith.constant 4992 : i32
      %add3A_160 = arith.addi %add3A_159, %mul3A_158 : i32
      %add3A_161 = arith.constant 0 : i32
      %add3A_162 = arith.addi %add3A_160, %add3A_161 : i32
      %get3A = arith.constant 0 : i32
      %get3A_163 = arith.index_cast %get3A : i32 to index
      %get3A_164 = arith.index_cast %add3A_162 : i32 to index
      %get3A_165 = tpu.vector_load %arg8[%get3A_163, %get3A_164] {strides = array<i32>} : memref<2x9984xi32, #tpu.memory_space<vmem>>, vector<16xi32>,
      %gather3A = tpu.vector_load_idx %arg7[%get3A_165] : memref<10000xi32, #tpu.memory_space<vmem>>[vector<16xi32>], vector<16xi32>,
      %get3A_166 = arith.constant 1 : i32
      %get3A_167 = arith.index_cast %get3A_166 : i32 to index
      %get3A_168 = arith.index_cast %add3A_162 : i32 to index
      %get3A_169 = tpu.vector_load %arg8[%get3A_167, %get3A_168] {strides = array<i32>} : memref<2x9984xi32, #tpu.memory_space<vmem>>, vector<16xi32>,
      %mul3A_170 = arith.constant 32 : i32
      %mul3A_171 = vector.broadcast %mul3A_170 : i32 to vector<16xi32>
      %mul3A_172 = arith.muli %get3A_169, %mul3A_171 : vector<16xi32>
      %add3A_173 = arith.addi %mul3A_172, %gather3A : vector<16xi32>
      %swap3A = arith.index_cast %add3A_162 : i32 to index
      %swap3A_174 = tpu.vector_load %arg9[%swap3A] {strides = array<i32>} : memref<9984xi32, #tpu.memory_space<vmem>>, vector<16xi32>,
      tpu.vector_store %arg9[%swap3A], %add3A_173 {strides = array<i32>} : memref<9984xi32, #tpu.memory_space<vmem>>, vector<16xi32>,
      %mul3A_175 = arith.constant 4 : i32
      %mul3A_176 = arith.muli %scan3A_154, %mul3A_175 : i32
      %mul3A_177 = arith.constant 16 : i32
      %mul3A_178 = arith.muli %mul3A_176, %mul3A_177 : i32
      %add3A_179 = arith.constant 4992 : i32
      %add3A_180 = arith.addi %add3A_179, %mul3A_178 : i32
      %add3A_181 = arith.constant 16 : i32
      %add3A_182 = arith.addi %add3A_180, %add3A_181 : i32
      %get3A_183 = arith.constant 0 : i32
      %get3A_184 = arith.index_cast %get3A_183 : i32 to index
      %get3A_185 = arith.index_cast %add3A_182 : i32 to index
      %get3A_186 = tpu.vector_load %arg8[%get3A_184, %get3A_185] {strides = array<i32>} : memref<2x9984xi32, #tpu.memory_space<vmem>>, vector<16xi32>,
      %gather3A_187 = tpu.vector_load_idx %arg7[%get3A_186] : memref<10000xi32, #tpu.memory_space<vmem>>[vector<16xi32>], vector<16xi32>,
      %get3A_188 = arith.constant 1 : i32
      %get3A_189 = arith.index_cast %get3A_188 : i32 to index
      %get3A_190 = arith.index_cast %add3A_182 : i32 to index
      %get3A_191 = tpu.vector_load %arg8[%get3A_189, %get3A_190] {strides = array<i32>} : memref<2x9984xi32, #tpu.memory_space<vmem>>, vector<16xi32>,
      %mul3A_192 = arith.constant 32 : i32
      %mul3A_193 = vector.broadcast %mul3A_192 : i32 to vector<16xi32>
      %mul3A_194 = arith.muli %get3A_191, %mul3A_193 : vector<16xi32>
      %add3A_195 = arith.addi %mul3A_194, %gather3A_187 : vector<16xi32>
      %swap3A_196 = arith.index_cast %add3A_182 : i32 to index
      %swap3A_197 = tpu.vector_load %arg9[%swap3A_196] {strides = array<i32>} : memref<9984xi32, #tpu.memory_space<vmem>>, vector<16xi32>,
      tpu.vector_store %arg9[%swap3A_196], %add3A_195 {strides = array<i32>} : memref<9984xi32, #tpu.memory_space<vmem>>, vector<16xi32>,
      %mul3A_198 = arith.constant 4 : i32
      %mul3A_199 = arith.muli %scan3A_154, %mul3A_198 : i32
      %mul3A_200 = arith.constant 16 : i32
      %mul3A_201 = arith.muli %mul3A_199, %mul3A_200 : i32
      %add3A_202 = arith.constant 4992 : i32
      %add3A_203 = arith.addi %add3A_202, %mul3A_201 : i32
      %add3A_204 = arith.constant 32 : i32
      %add3A_205 = arith.addi %add3A_203, %add3A_204 : i32
      %get3A_206 = arith.constant 0 : i32
      %get3A_207 = arith.index_cast %get3A_206 : i32 to index
      %get3A_208 = arith.index_cast %add3A_205 : i32 to index
      %get3A_209 = tpu.vector_load %arg8[%get3A_207, %get3A_208] {strides = array<i32>} : memref<2x9984xi32, #tpu.memory_space<vmem>>, vector<16xi32>,
      %gather3A_210 = tpu.vector_load_idx %arg7[%get3A_209] : memref<10000xi32, #tpu.memory_space<vmem>>[vector<16xi32>], vector<16xi32>,
      %get3A_211 = arith.constant 1 : i32
      %get3A_212 = arith.index_cast %get3A_211 : i32 to index
      %get3A_213 = arith.index_cast %add3A_205 : i32 to index
      %get3A_214 = tpu.vector_load %arg8[%get3A_212, %get3A_213] {strides = array<i32>} : memref<2x9984xi32, #tpu.memory_space<vmem>>, vector<16xi32>,
      %mul3A_215 = arith.constant 32 : i32
      %mul3A_216 = vector.broadcast %mul3A_215 : i32 to vector<16xi32>
      %mul3A_217 = arith.muli %get3A_214, %mul3A_216 : vector<16xi32>
      %add3A_218 = arith.addi %mul3A_217, %gather3A_210 : vector<16xi32>
      %swap3A_219 = arith.index_cast %add3A_205 : i32 to index
      %swap3A_220 = tpu.vector_load %arg9[%swap3A_219] {strides = array<i32>} : memref<9984xi32, #tpu.memory_space<vmem>>, vector<16xi32>,
      tpu.vector_store %arg9[%swap3A_219], %add3A_218 {strides = array<i32>} : memref<9984xi32, #tpu.memory_space<vmem>>, vector<16xi32>,
      %mul3A_221 = arith.constant 4 : i32
      %mul3A_222 = arith.muli %scan3A_154, %mul3A_221 : i32
      %mul3A_223 = arith.constant 16 : i32
      %mul3A_224 = arith.muli %mul3A_222, %mul3A_223 : i32
      %add3A_225 = arith.constant 4992 : i32
      %add3A_226 = arith.addi %add3A_225, %mul3A_224 : i32
      %add3A_227 = arith.constant 48 : i32
      %add3A_228 = arith.addi %add3A_226, %add3A_227 : i32
      %get3A_229 = arith.constant 0 : i32
      %get3A_230 = arith.index_cast %get3A_229 : i32 to index
      %get3A_231 = arith.index_cast %add3A_228 : i32 to index
      %get3A_232 = tpu.vector_load %arg8[%get3A_230, %get3A_231] {strides = array<i32>} : memref<2x9984xi32, #tpu.memory_space<vmem>>, vector<16xi32>,
      %gather3A_233 = tpu.vector_load_idx %arg7[%get3A_232] : memref<10000xi32, #tpu.memory_space<vmem>>[vector<16xi32>], vector<16xi32>,
      %get3A_234 = arith.constant 1 : i32
      %get3A_235 = arith.index_cast %get3A_234 : i32 to index
      %get3A_236 = arith.index_cast %add3A_228 : i32 to index
      %get3A_237 = tpu.vector_load %arg8[%get3A_235, %get3A_236] {strides = array<i32>} : memref<2x9984xi32, #tpu.memory_space<vmem>>, vector<16xi32>,
      %mul3A_238 = arith.constant 32 : i32
      %mul3A_239 = vector.broadcast %mul3A_238 : i32 to vector<16xi32>
      %mul3A_240 = arith.muli %get3A_237, %mul3A_239 : vector<16xi32>
      %add3A_241 = arith.addi %mul3A_240, %gather3A_233 : vector<16xi32>
      %swap3A_242 = arith.index_cast %add3A_228 : i32 to index
      %swap3A_243 = tpu.vector_load %arg9[%swap3A_242] {strides = array<i32>} : memref<9984xi32, #tpu.memory_space<vmem>>, vector<16xi32>,
      tpu.vector_store %arg9[%swap3A_242], %add3A_241 {strides = array<i32>} : memref<9984xi32, #tpu.memory_space<vmem>>, vector<16xi32>,
    }
    %scan3A_95 = arith.constant 39 : i32
    %dma_start3A_96 = arith.constant 4992 : i32
    %dma_start3A_97 = tpu.memref_slice %arg10[%dma_start3A_96] : memref<9984xf32, #tpu.memory_space<vmem>> -> memref<2496xf32, #tpu.memory_space<vmem>>
    %dma_start3A_98 = arith.constant 4992 : i32
    %dma_start3A_99 = tpu.memref_slice %arg9[%dma_start3A_98] : memref<9984xi32, #tpu.memory_space<vmem>> -> memref<2496xi32, #tpu.memory_space<vmem>>
    %dma_start3A_100 = arith.constant 0 : i32
    %dma_start3A_101 = tpu.memref_slice %arg15[%dma_start3A_100] : memref<320000xf32, #tpu.memory_space<vmem_shared>> -> memref<320000xf32, #tpu.memory_space<vmem_shared>>
    tpu.enqueue_indirect_dma source(%dma_start3A_97 : memref<2496xf32, #tpu.memory_space<vmem>>) target(%dma_start3A_101 : memref<320000xf32, #tpu.memory_space<vmem_shared>>) offsets(%dma_start3A_99 : memref<2496xi32, #tpu.memory_space<vmem>>) semaphore(%arg22 : memref<!tpu.dma_semaphore, #tpu.memory_space<semaphore_mem>>) {add = true}
    %scan3A_102 = arith.constant 0 : i32
    %scan3A_103 = arith.constant 0 : i32
    %scan3A_104 = arith.constant 39 : i32
    %scan3A_105 = arith.addi %scan3A_103, %scan3A_104 : i32
    %scan3A_106 = arith.constant 1 : i32
    scf.for %scan3A_154 = %scan3A_103 to %scan3A_105 step %scan3A_106  : i32 {
      %mul3A_155 = arith.constant 4 : i32
      %mul3A_156 = arith.muli %scan3A_154, %mul3A_155 : i32
      %mul3A_157 = arith.constant 16 : i32
      %mul3A_158 = arith.muli %mul3A_156, %mul3A_157 : i32
      %add3A_159 = arith.constant 7488 : i32
      %add3A_160 = arith.addi %add3A_159, %mul3A_158 : i32
      %add3A_161 = arith.constant 0 : i32
      %add3A_162 = arith.addi %add3A_160, %add3A_161 : i32
      %get3A = arith.constant 0 : i32
      %get3A_163 = arith.index_cast %get3A : i32 to index
      %get3A_164 = arith.index_cast %add3A_162 : i32 to index
      %get3A_165 = tpu.vector_load %arg8[%get3A_163, %get3A_164] {strides = array<i32>} : memref<2x9984xi32, #tpu.memory_space<vmem>>, vector<16xi32>,
      %gather3A = tpu.vector_load_idx %arg7[%get3A_165] : memref<10000xi32, #tpu.memory_space<vmem>>[vector<16xi32>], vector<16xi32>,
      %get3A_166 = arith.constant 1 : i32
      %get3A_167 = arith.index_cast %get3A_166 : i32 to index
      %get3A_168 = arith.index_cast %add3A_162 : i32 to index
      %get3A_169 = tpu.vector_load %arg8[%get3A_167, %get3A_168] {strides = array<i32>} : memref<2x9984xi32, #tpu.memory_space<vmem>>, vector<16xi32>,
      %mul3A_170 = arith.constant 32 : i32
      %mul3A_171 = vector.broadcast %mul3A_170 : i32 to vector<16xi32>
      %mul3A_172 = arith.muli %get3A_169, %mul3A_171 : vector<16xi32>
      %add3A_173 = arith.addi %mul3A_172, %gather3A : vector<16xi32>
      %swap3A = arith.index_cast %add3A_162 : i32 to index
      %swap3A_174 = tpu.vector_load %arg9[%swap3A] {strides = array<i32>} : memref<9984xi32, #tpu.memory_space<vmem>>, vector<16xi32>,
      tpu.vector_store %arg9[%swap3A], %add3A_173 {strides = array<i32>} : memref<9984xi32, #tpu.memory_space<vmem>>, vector<16xi32>,
      %mul3A_175 = arith.constant 4 : i32
      %mul3A_176 = arith.muli %scan3A_154, %mul3A_175 : i32
      %mul3A_177 = arith.constant 16 : i32
      %mul3A_178 = arith.muli %mul3A_176, %mul3A_177 : i32
      %add3A_179 = arith.constant 7488 : i32
      %add3A_180 = arith.addi %add3A_179, %mul3A_178 : i32
      %add3A_181 = arith.constant 16 : i32
      %add3A_182 = arith.addi %add3A_180, %add3A_181 : i32
      %get3A_183 = arith.constant 0 : i32
      %get3A_184 = arith.index_cast %get3A_183 : i32 to index
      %get3A_185 = arith.index_cast %add3A_182 : i32 to index
      %get3A_186 = tpu.vector_load %arg8[%get3A_184, %get3A_185] {strides = array<i32>} : memref<2x9984xi32, #tpu.memory_space<vmem>>, vector<16xi32>,
      %gather3A_187 = tpu.vector_load_idx %arg7[%get3A_186] : memref<10000xi32, #tpu.memory_space<vmem>>[vector<16xi32>], vector<16xi32>,
      %get3A_188 = arith.constant 1 : i32
      %get3A_189 = arith.index_cast %get3A_188 : i32 to index
      %get3A_190 = arith.index_cast %add3A_182 : i32 to index
      %get3A_191 = tpu.vector_load %arg8[%get3A_189, %get3A_190] {strides = array<i32>} : memref<2x9984xi32, #tpu.memory_space<vmem>>, vector<16xi32>,
      %mul3A_192 = arith.constant 32 : i32
      %mul3A_193 = vector.broadcast %mul3A_192 : i32 to vector<16xi32>
      %mul3A_194 = arith.muli %get3A_191, %mul3A_193 : vector<16xi32>
      %add3A_195 = arith.addi %mul3A_194, %gather3A_187 : vector<16xi32>
      %swap3A_196 = arith.index_cast %add3A_182 : i32 to index
      %swap3A_197 = tpu.vector_load %arg9[%swap3A_196] {strides = array<i32>} : memref<9984xi32, #tpu.memory_space<vmem>>, vector<16xi32>,
      tpu.vector_store %arg9[%swap3A_196], %add3A_195 {strides = array<i32>} : memref<9984xi32, #tpu.memory_space<vmem>>, vector<16xi32>,
      %mul3A_198 = arith.constant 4 : i32
      %mul3A_199 = arith.muli %scan3A_154, %mul3A_198 : i32
      %mul3A_200 = arith.constant 16 : i32
      %mul3A_201 = arith.muli %mul3A_199, %mul3A_200 : i32
      %add3A_202 = arith.constant 7488 : i32
      %add3A_203 = arith.addi %add3A_202, %mul3A_201 : i32
      %add3A_204 = arith.constant 32 : i32
      %add3A_205 = arith.addi %add3A_203, %add3A_204 : i32
      %get3A_206 = arith.constant 0 : i32
      %get3A_207 = arith.index_cast %get3A_206 : i32 to index
      %get3A_208 = arith.index_cast %add3A_205 : i32 to index
      %get3A_209 = tpu.vector_load %arg8[%get3A_207, %get3A_208] {strides = array<i32>} : memref<2x9984xi32, #tpu.memory_space<vmem>>, vector<16xi32>,
      %gather3A_210 = tpu.vector_load_idx %arg7[%get3A_209] : memref<10000xi32, #tpu.memory_space<vmem>>[vector<16xi32>], vector<16xi32>,
      %get3A_211 = arith.constant 1 : i32
      %get3A_212 = arith.index_cast %get3A_211 : i32 to index
      %get3A_213 = arith.index_cast %add3A_205 : i32 to index
      %get3A_214 = tpu.vector_load %arg8[%get3A_212, %get3A_213] {strides = array<i32>} : memref<2x9984xi32, #tpu.memory_space<vmem>>, vector<16xi32>,
      %mul3A_215 = arith.constant 32 : i32
      %mul3A_216 = vector.broadcast %mul3A_215 : i32 to vector<16xi32>
      %mul3A_217 = arith.muli %get3A_214, %mul3A_216 : vector<16xi32>
      %add3A_218 = arith.addi %mul3A_217, %gather3A_210 : vector<16xi32>
      %swap3A_219 = arith.index_cast %add3A_205 : i32 to index
      %swap3A_220 = tpu.vector_load %arg9[%swap3A_219] {strides = array<i32>} : memref<9984xi32, #tpu.memory_space<vmem>>, vector<16xi32>,
      tpu.vector_store %arg9[%swap3A_219], %add3A_218 {strides = array<i32>} : memref<9984xi32, #tpu.memory_space<vmem>>, vector<16xi32>,
      %mul3A_221 = arith.constant 4 : i32
      %mul3A_222 = arith.muli %scan3A_154, %mul3A_221 : i32
      %mul3A_223 = arith.constant 16 : i32
      %mul3A_224 = arith.muli %mul3A_222, %mul3A_223 : i32
      %add3A_225 = arith.constant 7488 : i32
      %add3A_226 = arith.addi %add3A_225, %mul3A_224 : i32
      %add3A_227 = arith.constant 48 : i32
      %add3A_228 = arith.addi %add3A_226, %add3A_227 : i32
      %get3A_229 = arith.constant 0 : i32
      %get3A_230 = arith.index_cast %get3A_229 : i32 to index
      %get3A_231 = arith.index_cast %add3A_228 : i32 to index
      %get3A_232 = tpu.vector_load %arg8[%get3A_230, %get3A_231] {strides = array<i32>} : memref<2x9984xi32, #tpu.memory_space<vmem>>, vector<16xi32>,
      %gather3A_233 = tpu.vector_load_idx %arg7[%get3A_232] : memref<10000xi32, #tpu.memory_space<vmem>>[vector<16xi32>], vector<16xi32>,
      %get3A_234 = arith.constant 1 : i32
      %get3A_235 = arith.index_cast %get3A_234 : i32 to index
      %get3A_236 = arith.index_cast %add3A_228 : i32 to index
      %get3A_237 = tpu.vector_load %arg8[%get3A_235, %get3A_236] {strides = array<i32>} : memref<2x9984xi32, #tpu.memory_space<vmem>>, vector<16xi32>,
      %mul3A_238 = arith.constant 32 : i32
      %mul3A_239 = vector.broadcast %mul3A_238 : i32 to vector<16xi32>
      %mul3A_240 = arith.muli %get3A_237, %mul3A_239 : vector<16xi32>
      %add3A_241 = arith.addi %mul3A_240, %gather3A_233 : vector<16xi32>
      %swap3A_242 = arith.index_cast %add3A_228 : i32 to index
      %swap3A_243 = tpu.vector_load %arg9[%swap3A_242] {strides = array<i32>} : memref<9984xi32, #tpu.memory_space<vmem>>, vector<16xi32>,
      tpu.vector_store %arg9[%swap3A_242], %add3A_241 {strides = array<i32>} : memref<9984xi32, #tpu.memory_space<vmem>>, vector<16xi32>,
    }
    %scan3A_107 = arith.constant 39 : i32
    %dma_start3A_108 = arith.constant 7488 : i32
    %dma_start3A_109 = tpu.memref_slice %arg10[%dma_start3A_108] : memref<9984xf32, #tpu.memory_space<vmem>> -> memref<2496xf32, #tpu.memory_space<vmem>>
    %dma_start3A_110 = arith.constant 7488 : i32
    %dma_start3A_111 = tpu.memref_slice %arg9[%dma_start3A_110] : memref<9984xi32, #tpu.memory_space<vmem>> -> memref<2496xi32, #tpu.memory_space<vmem>>
    %dma_start3A_112 = arith.constant 0 : i32
    %dma_start3A_113 = tpu.memref_slice %arg15[%dma_start3A_112] : memref<320000xf32, #tpu.memory_space<vmem_shared>> -> memref<320000xf32, #tpu.memory_space<vmem_shared>>
    tpu.enqueue_indirect_dma source(%dma_start3A_109 : memref<2496xf32, #tpu.memory_space<vmem>>) target(%dma_start3A_113 : memref<320000xf32, #tpu.memory_space<vmem_shared>>) offsets(%dma_start3A_111 : memref<2496xi32, #tpu.memory_space<vmem>>) semaphore(%arg22 : memref<!tpu.dma_semaphore, #tpu.memory_space<semaphore_mem>>) {add = true}
    %eq3A_114 = arith.constant 0 : i32
    %eq3A_115 = arith.cmpi eq, %add3A, %eq3A_114 : i32
    %convert_element_type3A_116 = arith.extui %eq3A_115 : i1 to i32
    %cond3A_117 = arith.constant 0 : i32
    %cond3A_118 = arith.cmpi ne, %convert_element_type3A_116, %cond3A_117 : i32
    scf.if %cond3A_118 {
      %scan3A_154 = arith.constant 0 : i32
      %scan3A_155 = arith.constant 0 : i32
      %scan3A_156 = arith.constant 8 : i32
      %scan3A_157 = arith.addi %scan3A_155, %scan3A_156 : i32
      %scan3A_158 = arith.constant 1 : i32
      scf.for %scan3A_160 = %scan3A_155 to %scan3A_157 step %scan3A_158  : i32 {
        %mul3A_161 = arith.constant 4 : i32
        %mul3A_162 = arith.muli %scan3A_160, %mul3A_161 : i32
        %mul3A_163 = arith.constant 16 : i32
        %mul3A_164 = arith.muli %mul3A_162, %mul3A_163 : i32
        %add3A_165 = arith.constant 0 : i32
        %add3A_166 = arith.addi %mul3A_164, %add3A_165 : i32
        %get3A = arith.constant 0 : i32
        %get3A_167 = arith.index_cast %get3A : i32 to index
        %get3A_168 = arith.index_cast %add3A_166 : i32 to index
        %get3A_169 = tpu.vector_load %arg11[%get3A_167, %get3A_168] {strides = array<i32>} : memref<2x512xi32, #tpu.memory_space<vmem>>, vector<16xi32>,
        %gather3A = tpu.vector_load_idx %arg7[%get3A_169] : memref<10000xi32, #tpu.memory_space<vmem>>[vector<16xi32>], vector<16xi32>,
        %get3A_170 = arith.constant 1 : i32
        %get3A_171 = arith.index_cast %get3A_170 : i32 to index
        %get3A_172 = arith.index_cast %add3A_166 : i32 to index
        %get3A_173 = tpu.vector_load %arg11[%get3A_171, %get3A_172] {strides = array<i32>} : memref<2x512xi32, #tpu.memory_space<vmem>>, vector<16xi32>,
        %mul3A_174 = arith.constant 32 : i32
        %mul3A_175 = vector.broadcast %mul3A_174 : i32 to vector<16xi32>
        %mul3A_176 = arith.muli %get3A_173, %mul3A_175 : vector<16xi32>
        %add3A_177 = arith.addi %mul3A_176, %gather3A : vector<16xi32>
        %swap3A = arith.index_cast %add3A_166 : i32 to index
        %swap3A_178 = tpu.vector_load %arg12[%swap3A] {strides = array<i32>} : memref<512xi32, #tpu.memory_space<vmem>>, vector<16xi32>,
        tpu.vector_store %arg12[%swap3A], %add3A_177 {strides = array<i32>} : memref<512xi32, #tpu.memory_space<vmem>>, vector<16xi32>,
        %mul3A_179 = arith.constant 4 : i32
        %mul3A_180 = arith.muli %scan3A_160, %mul3A_179 : i32
        %mul3A_181 = arith.constant 16 : i32
        %mul3A_182 = arith.muli %mul3A_180, %mul3A_181 : i32
        %add3A_183 = arith.constant 16 : i32
        %add3A_184 = arith.addi %mul3A_182, %add3A_183 : i32
        %get3A_185 = arith.constant 0 : i32
        %get3A_186 = arith.index_cast %get3A_185 : i32 to index
        %get3A_187 = arith.index_cast %add3A_184 : i32 to index
        %get3A_188 = tpu.vector_load %arg11[%get3A_186, %get3A_187] {strides = array<i32>} : memref<2x512xi32, #tpu.memory_space<vmem>>, vector<16xi32>,
        %gather3A_189 = tpu.vector_load_idx %arg7[%get3A_188] : memref<10000xi32, #tpu.memory_space<vmem>>[vector<16xi32>], vector<16xi32>,
        %get3A_190 = arith.constant 1 : i32
        %get3A_191 = arith.index_cast %get3A_190 : i32 to index
        %get3A_192 = arith.index_cast %add3A_184 : i32 to index
        %get3A_193 = tpu.vector_load %arg11[%get3A_191, %get3A_192] {strides = array<i32>} : memref<2x512xi32, #tpu.memory_space<vmem>>, vector<16xi32>,
        %mul3A_194 = arith.constant 32 : i32
        %mul3A_195 = vector.broadcast %mul3A_194 : i32 to vector<16xi32>
        %mul3A_196 = arith.muli %get3A_193, %mul3A_195 : vector<16xi32>
        %add3A_197 = arith.addi %mul3A_196, %gather3A_189 : vector<16xi32>
        %swap3A_198 = arith.index_cast %add3A_184 : i32 to index
        %swap3A_199 = tpu.vector_load %arg12[%swap3A_198] {strides = array<i32>} : memref<512xi32, #tpu.memory_space<vmem>>, vector<16xi32>,
        tpu.vector_store %arg12[%swap3A_198], %add3A_197 {strides = array<i32>} : memref<512xi32, #tpu.memory_space<vmem>>, vector<16xi32>,
        %mul3A_200 = arith.constant 4 : i32
        %mul3A_201 = arith.muli %scan3A_160, %mul3A_200 : i32
        %mul3A_202 = arith.constant 16 : i32
        %mul3A_203 = arith.muli %mul3A_201, %mul3A_202 : i32
        %add3A_204 = arith.constant 32 : i32
        %add3A_205 = arith.addi %mul3A_203, %add3A_204 : i32
        %get3A_206 = arith.constant 0 : i32
        %get3A_207 = arith.index_cast %get3A_206 : i32 to index
        %get3A_208 = arith.index_cast %add3A_205 : i32 to index
        %get3A_209 = tpu.vector_load %arg11[%get3A_207, %get3A_208] {strides = array<i32>} : memref<2x512xi32, #tpu.memory_space<vmem>>, vector<16xi32>,
        %gather3A_210 = tpu.vector_load_idx %arg7[%get3A_209] : memref<10000xi32, #tpu.memory_space<vmem>>[vector<16xi32>], vector<16xi32>,
        %get3A_211 = arith.constant 1 : i32
        %get3A_212 = arith.index_cast %get3A_211 : i32 to index
        %get3A_213 = arith.index_cast %add3A_205 : i32 to index
        %get3A_214 = tpu.vector_load %arg11[%get3A_212, %get3A_213] {strides = array<i32>} : memref<2x512xi32, #tpu.memory_space<vmem>>, vector<16xi32>,
        %mul3A_215 = arith.constant 32 : i32
        %mul3A_216 = vector.broadcast %mul3A_215 : i32 to vector<16xi32>
        %mul3A_217 = arith.muli %get3A_214, %mul3A_216 : vector<16xi32>
        %add3A_218 = arith.addi %mul3A_217, %gather3A_210 : vector<16xi32>
        %swap3A_219 = arith.index_cast %add3A_205 : i32 to index
        %swap3A_220 = tpu.vector_load %arg12[%swap3A_219] {strides = array<i32>} : memref<512xi32, #tpu.memory_space<vmem>>, vector<16xi32>,
        tpu.vector_store %arg12[%swap3A_219], %add3A_218 {strides = array<i32>} : memref<512xi32, #tpu.memory_space<vmem>>, vector<16xi32>,
        %mul3A_221 = arith.constant 4 : i32
        %mul3A_222 = arith.muli %scan3A_160, %mul3A_221 : i32
        %mul3A_223 = arith.constant 16 : i32
        %mul3A_224 = arith.muli %mul3A_222, %mul3A_223 : i32
        %add3A_225 = arith.constant 48 : i32
        %add3A_226 = arith.addi %mul3A_224, %add3A_225 : i32
        %get3A_227 = arith.constant 0 : i32
        %get3A_228 = arith.index_cast %get3A_227 : i32 to index
        %get3A_229 = arith.index_cast %add3A_226 : i32 to index
        %get3A_230 = tpu.vector_load %arg11[%get3A_228, %get3A_229] {strides = array<i32>} : memref<2x512xi32, #tpu.memory_space<vmem>>, vector<16xi32>,
        %gather3A_231 = tpu.vector_load_idx %arg7[%get3A_230] : memref<10000xi32, #tpu.memory_space<vmem>>[vector<16xi32>], vector<16xi32>,
        %get3A_232 = arith.constant 1 : i32
        %get3A_233 = arith.index_cast %get3A_232 : i32 to index
        %get3A_234 = arith.index_cast %add3A_226 : i32 to index
        %get3A_235 = tpu.vector_load %arg11[%get3A_233, %get3A_234] {strides = array<i32>} : memref<2x512xi32, #tpu.memory_space<vmem>>, vector<16xi32>,
        %mul3A_236 = arith.constant 32 : i32
        %mul3A_237 = vector.broadcast %mul3A_236 : i32 to vector<16xi32>
        %mul3A_238 = arith.muli %get3A_235, %mul3A_237 : vector<16xi32>
        %add3A_239 = arith.addi %mul3A_238, %gather3A_231 : vector<16xi32>
        %swap3A_240 = arith.index_cast %add3A_226 : i32 to index
        %swap3A_241 = tpu.vector_load %arg12[%swap3A_240] {strides = array<i32>} : memref<512xi32, #tpu.memory_space<vmem>>, vector<16xi32>,
        tpu.vector_store %arg12[%swap3A_240], %add3A_239 {strides = array<i32>} : memref<512xi32, #tpu.memory_space<vmem>>, vector<16xi32>,
      }
      %scan3A_159 = arith.constant 8 : i32
      "tpu.region"() ({
        %run_scoped3A = tpu.sem_alloc : memref<!tpu.dma_semaphore, #tpu.memory_space<semaphore_mem>>
        %dma_start3A_160 = arith.constant 0 : i32
        %dma_start3A_161 = tpu.memref_slice %arg15[%dma_start3A_160] : memref<320000xf32, #tpu.memory_space<vmem_shared>> -> memref<320000xf32, #tpu.memory_space<vmem_shared>>
        tpu.enqueue_indirect_dma source(%arg13 : memref<512xf32, #tpu.memory_space<vmem>>) target(%dma_start3A_161 : memref<320000xf32, #tpu.memory_space<vmem_shared>>) offsets(%arg12 : memref<512xi32, #tpu.memory_space<vmem>>) semaphore(%run_scoped3A : memref<!tpu.dma_semaphore, #tpu.memory_space<semaphore_mem>>) {add = true}
        %dma_wait3A_162 = arith.constant 0 : i32
        %dma_wait3A_163 = tpu.memref_slice %arg15[%dma_wait3A_162] : memref<320000xf32, #tpu.memory_space<vmem_shared>> -> memref<320000xf32, #tpu.memory_space<vmem_shared>>
        tpu.wait_indirect_dma semaphore(%run_scoped3A : memref<!tpu.dma_semaphore, #tpu.memory_space<semaphore_mem>>) src(%arg13 : memref<512xf32, #tpu.memory_space<vmem>>) dst(%dma_wait3A_163 : memref<320000xf32, #tpu.memory_space<vmem_shared>>)
        tpu.yield
      }) : () -> ()
    } else {
    }
    %dma_wait3A_119 = arith.constant 0 : i32
    %dma_wait3A_120 = tpu.memref_slice %arg10[%dma_wait3A_119] : memref<9984xf32, #tpu.memory_space<vmem>> -> memref<2496xf32, #tpu.memory_space<vmem>>
    %dma_wait3A_121 = arith.constant 0 : i32
    %dma_wait3A_122 = tpu.memref_slice %arg9[%dma_wait3A_121] : memref<9984xi32, #tpu.memory_space<vmem>> -> memref<2496xi32, #tpu.memory_space<vmem>>
    %dma_wait3A_123 = arith.constant 0 : i32
    %dma_wait3A_124 = tpu.memref_slice %arg15[%dma_wait3A_123] : memref<320000xf32, #tpu.memory_space<vmem_shared>> -> memref<320000xf32, #tpu.memory_space<vmem_shared>>
    tpu.wait_indirect_dma semaphore(%arg22 : memref<!tpu.dma_semaphore, #tpu.memory_space<semaphore_mem>>) src(%dma_wait3A_120 : memref<2496xf32, #tpu.memory_space<vmem>>) dst(%dma_wait3A_124 : memref<320000xf32, #tpu.memory_space<vmem_shared>>)
    %dma_wait3A_125 = arith.constant 2496 : i32
    %dma_wait3A_126 = tpu.memref_slice %arg10[%dma_wait3A_125] : memref<9984xf32, #tpu.memory_space<vmem>> -> memref<2496xf32, #tpu.memory_space<vmem>>
    %dma_wait3A_127 = arith.constant 2496 : i32
    %dma_wait3A_128 = tpu.memref_slice %arg9[%dma_wait3A_127] : memref<9984xi32, #tpu.memory_space<vmem>> -> memref<2496xi32, #tpu.memory_space<vmem>>
    %dma_wait3A_129 = arith.constant 0 : i32
    %dma_wait3A_130 = tpu.memref_slice %arg15[%dma_wait3A_129] : memref<320000xf32, #tpu.memory_space<vmem_shared>> -> memref<320000xf32, #tpu.memory_space<vmem_shared>>
    tpu.wait_indirect_dma semaphore(%arg22 : memref<!tpu.dma_semaphore, #tpu.memory_space<semaphore_mem>>) src(%dma_wait3A_126 : memref<2496xf32, #tpu.memory_space<vmem>>) dst(%dma_wait3A_130 : memref<320000xf32, #tpu.memory_space<vmem_shared>>)
    %dma_wait3A_131 = arith.constant 4992 : i32
    %dma_wait3A_132 = tpu.memref_slice %arg10[%dma_wait3A_131] : memref<9984xf32, #tpu.memory_space<vmem>> -> memref<2496xf32, #tpu.memory_space<vmem>>
    %dma_wait3A_133 = arith.constant 4992 : i32
    %dma_wait3A_134 = tpu.memref_slice %arg9[%dma_wait3A_133] : memref<9984xi32, #tpu.memory_space<vmem>> -> memref<2496xi32, #tpu.memory_space<vmem>>
    %dma_wait3A_135 = arith.constant 0 : i32
    %dma_wait3A_136 = tpu.memref_slice %arg15[%dma_wait3A_135] : memref<320000xf32, #tpu.memory_space<vmem_shared>> -> memref<320000xf32, #tpu.memory_space<vmem_shared>>
    tpu.wait_indirect_dma semaphore(%arg22 : memref<!tpu.dma_semaphore, #tpu.memory_space<semaphore_mem>>) src(%dma_wait3A_132 : memref<2496xf32, #tpu.memory_space<vmem>>) dst(%dma_wait3A_136 : memref<320000xf32, #tpu.memory_space<vmem_shared>>)
    %dma_wait3A_137 = arith.constant 7488 : i32
    %dma_wait3A_138 = tpu.memref_slice %arg10[%dma_wait3A_137] : memref<9984xf32, #tpu.memory_space<vmem>> -> memref<2496xf32, #tpu.memory_space<vmem>>
    %dma_wait3A_139 = arith.constant 7488 : i32
    %dma_wait3A_140 = tpu.memref_slice %arg9[%dma_wait3A_139] : memref<9984xi32, #tpu.memory_space<vmem>> -> memref<2496xi32, #tpu.memory_space<vmem>>
    %dma_wait3A_141 = arith.constant 0 : i32
    %dma_wait3A_142 = tpu.memref_slice %arg15[%dma_wait3A_141] : memref<320000xf32, #tpu.memory_space<vmem_shared>> -> memref<320000xf32, #tpu.memory_space<vmem_shared>>
    tpu.wait_indirect_dma semaphore(%arg22 : memref<!tpu.dma_semaphore, #tpu.memory_space<semaphore_mem>>) src(%dma_wait3A_138 : memref<2496xf32, #tpu.memory_space<vmem>>) dst(%dma_wait3A_142 : memref<320000xf32, #tpu.memory_space<vmem_shared>>)
    %barrier3A_143 = arith.constant 0 : index
    tpu.barrier barrier_id(%barrier3A_143)
    %eq3A_144 = arith.constant 0 : i32
    %eq3A_145 = arith.cmpi eq, %arg0, %eq3A_144 : i32
    %convert_element_type3A_146 = arith.extui %eq3A_145 : i1 to i32
    %cond3A_147 = arith.constant 0 : i32
    %cond3A_148 = arith.cmpi ne, %convert_element_type3A_146, %cond3A_147 : i32
    scf.if %cond3A_148 {
      %mul3A_154 = arith.constant 20000 : i32
      %mul3A_155 = arith.muli %arg1, %mul3A_154 : i32
      "tpu.region"() ({
        %run_scoped3A = tpu.sem_alloc : memref<!tpu.dma_semaphore, #tpu.memory_space<semaphore_mem>>
        %dma_start3A_178 = arith.constant 0 : i32
        %dma_start3A_179 = tpu.memref_slice %arg14[%dma_start3A_178] : memref<20000xf32, #tpu.memory_space<vmem>> -> memref<10000xf32, #tpu.memory_space<vmem>>
        %dma_start3A_180 = tpu.memref_slice %arg15[%mul3A_155] : memref<320000xf32, #tpu.memory_space<vmem_shared>> -> memref<10000xf32, #tpu.memory_space<vmem_shared>>
        %dma_start3A_181 = arith.constant 0 : i32
        %dma_start3A_182 = tpu.memref_slice %arg14[%dma_start3A_181] : memref<20000xf32, #tpu.memory_space<vmem>> -> memref<10000xf32, #tpu.memory_space<vmem>>
        %dma_start3A_183 = tpu.memref_slice %arg15[%mul3A_155] : memref<320000xf32, #tpu.memory_space<vmem_shared>> -> memref<10000xf32, #tpu.memory_space<vmem_shared>>
        tpu.enqueue_dma source(%dma_start3A_183 : memref<10000xf32, #tpu.memory_space<vmem_shared>>) target(%dma_start3A_182 : memref<10000xf32, #tpu.memory_space<vmem>>) target_semaphore(%run_scoped3A : memref<!tpu.dma_semaphore, #tpu.memory_space<semaphore_mem>>)
        %dma_wait3A_184 = arith.constant 0 : i32
        %dma_wait3A_185 = tpu.memref_slice %arg14[%dma_wait3A_184] : memref<20000xf32, #tpu.memory_space<vmem>> -> memref<10000xf32, #tpu.memory_space<vmem>>
        %dma_wait3A_186 = tpu.memref_slice %arg15[%mul3A_155] : memref<320000xf32, #tpu.memory_space<vmem_shared>> -> memref<10000xf32, #tpu.memory_space<vmem_shared>>
        %dma_wait3A_187 = arith.constant 0 : i32
        %dma_wait3A_188 = tpu.memref_slice %arg14[%dma_wait3A_187] : memref<20000xf32, #tpu.memory_space<vmem>> -> memref<10000xf32, #tpu.memory_space<vmem>>
        %dma_wait3A_189 = tpu.memref_slice %arg15[%mul3A_155] : memref<320000xf32, #tpu.memory_space<vmem_shared>> -> memref<10000xf32, #tpu.memory_space<vmem_shared>>
        tpu.wait_dma2 semaphore(%run_scoped3A : memref<!tpu.dma_semaphore, #tpu.memory_space<semaphore_mem>>) src(%dma_wait3A_189 : memref<10000xf32, #tpu.memory_space<vmem_shared>>) dst(%dma_wait3A_188 : memref<10000xf32, #tpu.memory_space<vmem>>)
        tpu.yield
      }) : () -> ()
      %mul3A_156 = arith.constant 20000 : i32
      %mul3A_157 = arith.muli %arg1, %mul3A_156 : i32
      %dma_start3A_158 = arith.constant 0 : i32
      %dma_start3A_159 = tpu.memref_slice %arg14[%dma_start3A_158] : memref<20000xf32, #tpu.memory_space<vmem>> -> memref<10000xf32, #tpu.memory_space<vmem>>
      %dma_start3A_160 = tpu.memref_slice %arg5[%mul3A_157] : memref<320000xf32, #tpu.memory_space<hbm>> -> memref<10000xf32, #tpu.memory_space<hbm>>
      %dma_start3A_161 = tpu.memref_slice %arg5[%mul3A_157] : memref<320000xf32, #tpu.memory_space<hbm>> -> memref<10000xf32, #tpu.memory_space<hbm>>
      %dma_start3A_162 = arith.constant 0 : i32
      %dma_start3A_163 = tpu.memref_slice %arg14[%dma_start3A_162] : memref<20000xf32, #tpu.memory_space<vmem>> -> memref<10000xf32, #tpu.memory_space<vmem>>
      tpu.enqueue_dma source(%dma_start3A_163 : memref<10000xf32, #tpu.memory_space<vmem>>) target(%dma_start3A_161 : memref<10000xf32, #tpu.memory_space<hbm>>) target_semaphore(%arg22 : memref<!tpu.dma_semaphore, #tpu.memory_space<semaphore_mem>>)
      %mul3A_164 = arith.constant 20000 : i32
      %mul3A_165 = arith.muli %arg1, %mul3A_164 : i32
      %add3A_166 = arith.constant 10000 : i32
      %add3A_167 = arith.addi %mul3A_165, %add3A_166 : i32
      "tpu.region"() ({
        %run_scoped3A = tpu.sem_alloc : memref<!tpu.dma_semaphore, #tpu.memory_space<semaphore_mem>>
        %dma_start3A_178 = arith.constant 10000 : i32
        %dma_start3A_179 = tpu.memref_slice %arg14[%dma_start3A_178] : memref<20000xf32, #tpu.memory_space<vmem>> -> memref<10000xf32, #tpu.memory_space<vmem>>
        %dma_start3A_180 = tpu.memref_slice %arg15[%add3A_167] : memref<320000xf32, #tpu.memory_space<vmem_shared>> -> memref<10000xf32, #tpu.memory_space<vmem_shared>>
        %dma_start3A_181 = arith.constant 10000 : i32
        %dma_start3A_182 = tpu.memref_slice %arg14[%dma_start3A_181] : memref<20000xf32, #tpu.memory_space<vmem>> -> memref<10000xf32, #tpu.memory_space<vmem>>
        %dma_start3A_183 = tpu.memref_slice %arg15[%add3A_167] : memref<320000xf32, #tpu.memory_space<vmem_shared>> -> memref<10000xf32, #tpu.memory_space<vmem_shared>>
        tpu.enqueue_dma source(%dma_start3A_183 : memref<10000xf32, #tpu.memory_space<vmem_shared>>) target(%dma_start3A_182 : memref<10000xf32, #tpu.memory_space<vmem>>) target_semaphore(%run_scoped3A : memref<!tpu.dma_semaphore, #tpu.memory_space<semaphore_mem>>)
        %dma_wait3A_184 = arith.constant 10000 : i32
        %dma_wait3A_185 = tpu.memref_slice %arg14[%dma_wait3A_184] : memref<20000xf32, #tpu.memory_space<vmem>> -> memref<10000xf32, #tpu.memory_space<vmem>>
        %dma_wait3A_186 = tpu.memref_slice %arg15[%add3A_167] : memref<320000xf32, #tpu.memory_space<vmem_shared>> -> memref<10000xf32, #tpu.memory_space<vmem_shared>>
        %dma_wait3A_187 = arith.constant 10000 : i32
        %dma_wait3A_188 = tpu.memref_slice %arg14[%dma_wait3A_187] : memref<20000xf32, #tpu.memory_space<vmem>> -> memref<10000xf32, #tpu.memory_space<vmem>>
        %dma_wait3A_189 = tpu.memref_slice %arg15[%add3A_167] : memref<320000xf32, #tpu.memory_space<vmem_shared>> -> memref<10000xf32, #tpu.memory_space<vmem_shared>>
        tpu.wait_dma2 semaphore(%run_scoped3A : memref<!tpu.dma_semaphore, #tpu.memory_space<semaphore_mem>>) src(%dma_wait3A_189 : memref<10000xf32, #tpu.memory_space<vmem_shared>>) dst(%dma_wait3A_188 : memref<10000xf32, #tpu.memory_space<vmem>>)
        tpu.yield
      }) : () -> ()
      %dma_wait3A_168 = arith.constant 0 : i32
      %dma_wait3A_169 = tpu.memref_slice %arg14[%dma_wait3A_168] : memref<20000xf32, #tpu.memory_space<vmem>> -> memref<10000xf32, #tpu.memory_space<vmem>>
      %dma_wait3A_170 = tpu.memref_slice %arg5[%mul3A_157] : memref<320000xf32, #tpu.memory_space<hbm>> -> memref<10000xf32, #tpu.memory_space<hbm>>
      %dma_wait3A_171 = tpu.memref_slice %arg5[%mul3A_157] : memref<320000xf32, #tpu.memory_space<hbm>> -> memref<10000xf32, #tpu.memory_space<hbm>>
      %dma_wait3A_172 = arith.constant 0 : i32
      %dma_wait3A_173 = tpu.memref_slice %arg14[%dma_wait3A_172] : memref<20000xf32, #tpu.memory_space<vmem>> -> memref<10000xf32, #tpu.memory_space<vmem>>
      tpu.wait_dma2 semaphore(%arg22 : memref<!tpu.dma_semaphore, #tpu.memory_space<semaphore_mem>>) src(%dma_wait3A_173 : memref<10000xf32, #tpu.memory_space<vmem>>) dst(%dma_wait3A_171 : memref<10000xf32, #tpu.memory_space<hbm>>)
      %mul3A_174 = arith.constant 20000 : i32
      %mul3A_175 = arith.muli %arg1, %mul3A_174 : i32
      %add3A_176 = arith.constant 10000 : i32
      %add3A_177 = arith.addi %mul3A_175, %add3A_176 : i32
      "tpu.region"() ({
        %run_scoped3A = tpu.sem_alloc : memref<!tpu.dma_semaphore, #tpu.memory_space<semaphore_mem>>
        %dma_start3A_178 = arith.constant 10000 : i32
        %dma_start3A_179 = tpu.memref_slice %arg14[%dma_start3A_178] : memref<20000xf32, #tpu.memory_space<vmem>> -> memref<10000xf32, #tpu.memory_space<vmem>>
        %dma_start3A_180 = tpu.memref_slice %arg5[%add3A_177] : memref<320000xf32, #tpu.memory_space<hbm>> -> memref<10000xf32, #tpu.memory_space<hbm>>
        %dma_start3A_181 = tpu.memref_slice %arg5[%add3A_177] : memref<320000xf32, #tpu.memory_space<hbm>> -> memref<10000xf32, #tpu.memory_space<hbm>>
        %dma_start3A_182 = arith.constant 10000 : i32
        %dma_start3A_183 = tpu.memref_slice %arg14[%dma_start3A_182] : memref<20000xf32, #tpu.memory_space<vmem>> -> memref<10000xf32, #tpu.memory_space<vmem>>
        tpu.enqueue_dma source(%dma_start3A_183 : memref<10000xf32, #tpu.memory_space<vmem>>) target(%dma_start3A_181 : memref<10000xf32, #tpu.memory_space<hbm>>) target_semaphore(%run_scoped3A : memref<!tpu.dma_semaphore, #tpu.memory_space<semaphore_mem>>)
        %dma_wait3A_184 = arith.constant 10000 : i32
        %dma_wait3A_185 = tpu.memref_slice %arg14[%dma_wait3A_184] : memref<20000xf32, #tpu.memory_space<vmem>> -> memref<10000xf32, #tpu.memory_space<vmem>>
        %dma_wait3A_186 = tpu.memref_slice %arg5[%add3A_177] : memref<320000xf32, #tpu.memory_space<hbm>> -> memref<10000xf32, #tpu.memory_space<hbm>>
        %dma_wait3A_187 = tpu.memref_slice %arg5[%add3A_177] : memref<320000xf32, #tpu.memory_space<hbm>> -> memref<10000xf32, #tpu.memory_space<hbm>>
        %dma_wait3A_188 = arith.constant 10000 : i32
        %dma_wait3A_189 = tpu.memref_slice %arg14[%dma_wait3A_188] : memref<20000xf32, #tpu.memory_space<vmem>> -> memref<10000xf32, #tpu.memory_space<vmem>>
        tpu.wait_dma2 semaphore(%run_scoped3A : memref<!tpu.dma_semaphore, #tpu.memory_space<semaphore_mem>>) src(%dma_wait3A_189 : memref<10000xf32, #tpu.memory_space<vmem>>) dst(%dma_wait3A_187 : memref<10000xf32, #tpu.memory_space<hbm>>)
        tpu.yield
      }) : () -> ()
    } else {
    }
    %eq3A_149 = arith.constant 1 : i32
    %eq3A_150 = arith.cmpi eq, %arg0, %eq3A_149 : i32
    %convert_element_type3A_151 = arith.extui %eq3A_150 : i1 to i32
    %cond3A_152 = arith.constant 0 : i32
    %cond3A_153 = arith.cmpi ne, %convert_element_type3A_151, %cond3A_152 : i32
    scf.if %cond3A_153 {
      %mul3A_154 = arith.constant 20000 : i32
      %mul3A_155 = arith.muli %arg1, %mul3A_154 : i32
      "tpu.region"() ({
        %run_scoped3A = tpu.sem_alloc : memref<!tpu.dma_semaphore, #tpu.memory_space<semaphore_mem>>
        %dma_start3A_178 = arith.constant 0 : i32
        %dma_start3A_179 = tpu.memref_slice %arg14[%dma_start3A_178] : memref<20000xf32, #tpu.memory_space<vmem>> -> memref<10000xf32, #tpu.memory_space<vmem>>
        %dma_start3A_180 = tpu.memref_slice %arg15[%mul3A_155] : memref<320000xf32, #tpu.memory_space<vmem_shared>> -> memref<10000xf32, #tpu.memory_space<vmem_shared>>
        %dma_start3A_181 = arith.constant 0 : i32
        %dma_start3A_182 = tpu.memref_slice %arg14[%dma_start3A_181] : memref<20000xf32, #tpu.memory_space<vmem>> -> memref<10000xf32, #tpu.memory_space<vmem>>
        %dma_start3A_183 = tpu.memref_slice %arg15[%mul3A_155] : memref<320000xf32, #tpu.memory_space<vmem_shared>> -> memref<10000xf32, #tpu.memory_space<vmem_shared>>
        tpu.enqueue_dma source(%dma_start3A_183 : memref<10000xf32, #tpu.memory_space<vmem_shared>>) target(%dma_start3A_182 : memref<10000xf32, #tpu.memory_space<vmem>>) target_semaphore(%run_scoped3A : memref<!tpu.dma_semaphore, #tpu.memory_space<semaphore_mem>>)
        %dma_wait3A_184 = arith.constant 0 : i32
        %dma_wait3A_185 = tpu.memref_slice %arg14[%dma_wait3A_184] : memref<20000xf32, #tpu.memory_space<vmem>> -> memref<10000xf32, #tpu.memory_space<vmem>>
        %dma_wait3A_186 = tpu.memref_slice %arg15[%mul3A_155] : memref<320000xf32, #tpu.memory_space<vmem_shared>> -> memref<10000xf32, #tpu.memory_space<vmem_shared>>
        %dma_wait3A_187 = arith.constant 0 : i32
        %dma_wait3A_188 = tpu.memref_slice %arg14[%dma_wait3A_187] : memref<20000xf32, #tpu.memory_space<vmem>> -> memref<10000xf32, #tpu.memory_space<vmem>>
        %dma_wait3A_189 = tpu.memref_slice %arg15[%mul3A_155] : memref<320000xf32, #tpu.memory_space<vmem_shared>> -> memref<10000xf32, #tpu.memory_space<vmem_shared>>
        tpu.wait_dma2 semaphore(%run_scoped3A : memref<!tpu.dma_semaphore, #tpu.memory_space<semaphore_mem>>) src(%dma_wait3A_189 : memref<10000xf32, #tpu.memory_space<vmem_shared>>) dst(%dma_wait3A_188 : memref<10000xf32, #tpu.memory_space<vmem>>)
        tpu.yield
      }) : () -> ()
      %mul3A_156 = arith.constant 20000 : i32
      %mul3A_157 = arith.muli %arg1, %mul3A_156 : i32
      %dma_start3A_158 = arith.constant 0 : i32
      %dma_start3A_159 = tpu.memref_slice %arg14[%dma_start3A_158] : memref<20000xf32, #tpu.memory_space<vmem>> -> memref<10000xf32, #tpu.memory_space<vmem>>
      %dma_start3A_160 = tpu.memref_slice %arg6[%mul3A_157] : memref<320000xf32, #tpu.memory_space<hbm>> -> memref<10000xf32, #tpu.memory_space<hbm>>
      %dma_start3A_161 = tpu.memref_slice %arg6[%mul3A_157] : memref<320000xf32, #tpu.memory_space<hbm>> -> memref<10000xf32, #tpu.memory_space<hbm>>
      %dma_start3A_162 = arith.constant 0 : i32
      %dma_start3A_163 = tpu.memref_slice %arg14[%dma_start3A_162] : memref<20000xf32, #tpu.memory_space<vmem>> -> memref<10000xf32, #tpu.memory_space<vmem>>
      tpu.enqueue_dma source(%dma_start3A_163 : memref<10000xf32, #tpu.memory_space<vmem>>) target(%dma_start3A_161 : memref<10000xf32, #tpu.memory_space<hbm>>) target_semaphore(%arg22 : memref<!tpu.dma_semaphore, #tpu.memory_space<semaphore_mem>>)
      %mul3A_164 = arith.constant 20000 : i32
      %mul3A_165 = arith.muli %arg1, %mul3A_164 : i32
      %add3A_166 = arith.constant 10000 : i32
      %add3A_167 = arith.addi %mul3A_165, %add3A_166 : i32
      "tpu.region"() ({
        %run_scoped3A = tpu.sem_alloc : memref<!tpu.dma_semaphore, #tpu.memory_space<semaphore_mem>>
        %dma_start3A_178 = arith.constant 10000 : i32
        %dma_start3A_179 = tpu.memref_slice %arg14[%dma_start3A_178] : memref<20000xf32, #tpu.memory_space<vmem>> -> memref<10000xf32, #tpu.memory_space<vmem>>
        %dma_start3A_180 = tpu.memref_slice %arg15[%add3A_167] : memref<320000xf32, #tpu.memory_space<vmem_shared>> -> memref<10000xf32, #tpu.memory_space<vmem_shared>>
        %dma_start3A_181 = arith.constant 10000 : i32
        %dma_start3A_182 = tpu.memref_slice %arg14[%dma_start3A_181] : memref<20000xf32, #tpu.memory_space<vmem>> -> memref<10000xf32, #tpu.memory_space<vmem>>
        %dma_start3A_183 = tpu.memref_slice %arg15[%add3A_167] : memref<320000xf32, #tpu.memory_space<vmem_shared>> -> memref<10000xf32, #tpu.memory_space<vmem_shared>>
        tpu.enqueue_dma source(%dma_start3A_183 : memref<10000xf32, #tpu.memory_space<vmem_shared>>) target(%dma_start3A_182 : memref<10000xf32, #tpu.memory_space<vmem>>) target_semaphore(%run_scoped3A : memref<!tpu.dma_semaphore, #tpu.memory_space<semaphore_mem>>)
        %dma_wait3A_184 = arith.constant 10000 : i32
        %dma_wait3A_185 = tpu.memref_slice %arg14[%dma_wait3A_184] : memref<20000xf32, #tpu.memory_space<vmem>> -> memref<10000xf32, #tpu.memory_space<vmem>>
        %dma_wait3A_186 = tpu.memref_slice %arg15[%add3A_167] : memref<320000xf32, #tpu.memory_space<vmem_shared>> -> memref<10000xf32, #tpu.memory_space<vmem_shared>>
        %dma_wait3A_187 = arith.constant 10000 : i32
        %dma_wait3A_188 = tpu.memref_slice %arg14[%dma_wait3A_187] : memref<20000xf32, #tpu.memory_space<vmem>> -> memref<10000xf32, #tpu.memory_space<vmem>>
        %dma_wait3A_189 = tpu.memref_slice %arg15[%add3A_167] : memref<320000xf32, #tpu.memory_space<vmem_shared>> -> memref<10000xf32, #tpu.memory_space<vmem_shared>>
        tpu.wait_dma2 semaphore(%run_scoped3A : memref<!tpu.dma_semaphore, #tpu.memory_space<semaphore_mem>>) src(%dma_wait3A_189 : memref<10000xf32, #tpu.memory_space<vmem_shared>>) dst(%dma_wait3A_188 : memref<10000xf32, #tpu.memory_space<vmem>>)
        tpu.yield
      }) : () -> ()
      %dma_wait3A_168 = arith.constant 0 : i32
      %dma_wait3A_169 = tpu.memref_slice %arg14[%dma_wait3A_168] : memref<20000xf32, #tpu.memory_space<vmem>> -> memref<10000xf32, #tpu.memory_space<vmem>>
      %dma_wait3A_170 = tpu.memref_slice %arg6[%mul3A_157] : memref<320000xf32, #tpu.memory_space<hbm>> -> memref<10000xf32, #tpu.memory_space<hbm>>
      %dma_wait3A_171 = tpu.memref_slice %arg6[%mul3A_157] : memref<320000xf32, #tpu.memory_space<hbm>> -> memref<10000xf32, #tpu.memory_space<hbm>>
      %dma_wait3A_172 = arith.constant 0 : i32
      %dma_wait3A_173 = tpu.memref_slice %arg14[%dma_wait3A_172] : memref<20000xf32, #tpu.memory_space<vmem>> -> memref<10000xf32, #tpu.memory_space<vmem>>
      tpu.wait_dma2 semaphore(%arg22 : memref<!tpu.dma_semaphore, #tpu.memory_space<semaphore_mem>>) src(%dma_wait3A_173 : memref<10000xf32, #tpu.memory_space<vmem>>) dst(%dma_wait3A_171 : memref<10000xf32, #tpu.memory_space<hbm>>)
      %mul3A_174 = arith.constant 20000 : i32
      %mul3A_175 = arith.muli %arg1, %mul3A_174 : i32
      %add3A_176 = arith.constant 10000 : i32
      %add3A_177 = arith.addi %mul3A_175, %add3A_176 : i32
      "tpu.region"() ({
        %run_scoped3A = tpu.sem_alloc : memref<!tpu.dma_semaphore, #tpu.memory_space<semaphore_mem>>
        %dma_start3A_178 = arith.constant 10000 : i32
        %dma_start3A_179 = tpu.memref_slice %arg14[%dma_start3A_178] : memref<20000xf32, #tpu.memory_space<vmem>> -> memref<10000xf32, #tpu.memory_space<vmem>>
        %dma_start3A_180 = tpu.memref_slice %arg6[%add3A_177] : memref<320000xf32, #tpu.memory_space<hbm>> -> memref<10000xf32, #tpu.memory_space<hbm>>
        %dma_start3A_181 = tpu.memref_slice %arg6[%add3A_177] : memref<320000xf32, #tpu.memory_space<hbm>> -> memref<10000xf32, #tpu.memory_space<hbm>>
        %dma_start3A_182 = arith.constant 10000 : i32
        %dma_start3A_183 = tpu.memref_slice %arg14[%dma_start3A_182] : memref<20000xf32, #tpu.memory_space<vmem>> -> memref<10000xf32, #tpu.memory_space<vmem>>
        tpu.enqueue_dma source(%dma_start3A_183 : memref<10000xf32, #tpu.memory_space<vmem>>) target(%dma_start3A_181 : memref<10000xf32, #tpu.memory_space<hbm>>) target_semaphore(%run_scoped3A : memref<!tpu.dma_semaphore, #tpu.memory_space<semaphore_mem>>)
        %dma_wait3A_184 = arith.constant 10000 : i32
        %dma_wait3A_185 = tpu.memref_slice %arg14[%dma_wait3A_184] : memref<20000xf32, #tpu.memory_space<vmem>> -> memref<10000xf32, #tpu.memory_space<vmem>>
        %dma_wait3A_186 = tpu.memref_slice %arg6[%add3A_177] : memref<320000xf32, #tpu.memory_space<hbm>> -> memref<10000xf32, #tpu.memory_space<hbm>>
        %dma_wait3A_187 = tpu.memref_slice %arg6[%add3A_177] : memref<320000xf32, #tpu.memory_space<hbm>> -> memref<10000xf32, #tpu.memory_space<hbm>>
        %dma_wait3A_188 = arith.constant 10000 : i32
        %dma_wait3A_189 = tpu.memref_slice %arg14[%dma_wait3A_188] : memref<20000xf32, #tpu.memory_space<vmem>> -> memref<10000xf32, #tpu.memory_space<vmem>>
        tpu.wait_dma2 semaphore(%run_scoped3A : memref<!tpu.dma_semaphore, #tpu.memory_space<semaphore_mem>>) src(%dma_wait3A_189 : memref<10000xf32, #tpu.memory_space<vmem>>) dst(%dma_wait3A_187 : memref<10000xf32, #tpu.memory_space<hbm>>)
        tpu.yield
      }) : () -> ()
    } else {
    }
    return
  }
}

module attributes {stable_mosaic.version = 14 : i64} {
  func.func @_mm_body(%arg0: i32, %arg1: memref<2500x128xf32, #tpu.memory_space<vmem>>, %arg2: memref<2500x128xf32, #tpu.memory_space<vmem>>, %arg3: memref<128x512xf32, #tpu.memory_space<vmem>>, %arg4: memref<10000x128xf32, #tpu.memory_space<vmem>>) attributes {dimension_semantics = [#tpu.dimension_semantics<arbitrary>], iteration_bounds = array<i64: 1>, scalar_prefetch = 0 : i64, scratch_operands = 0 : i64, tpu.core_type = #tpu.core_type<tc>, window_params = [{transform_indices = @transform_0, window_bounds = array<i64: 2500, 128>}, {transform_indices = @transform_1, window_bounds = array<i64: 2500, 128>}, {pipeline_mode = #tpu.pipeline_mode<synchronous>, transform_indices = @transform_2, window_bounds = array<i64: 128, 512>}, {transform_indices = @transform_3, window_bounds = array<i64: 10000, 128>}]} {
    %get3A = arith.constant 0 : index
    %get3A_0 = arith.constant 0 : index
    %get3A_1 = vector.load %arg1[%get3A, %get3A_0] : memref<2500x128xf32, #tpu.memory_space<vmem>>, vector<2500x128xf32>
    %get3A_2 = arith.constant 0 : index
    %get3A_3 = arith.constant 0 : index
    %get3A_4 = vector.load %arg2[%get3A_2, %get3A_3] : memref<2500x128xf32, #tpu.memory_space<vmem>>, vector<2500x128xf32>
    %add3A = arith.addf %get3A_1, %get3A_4 : vector<2500x128xf32>
    %get3A_5 = arith.constant 0 : index
    %get3A_6 = arith.constant 0 : index
    %get3A_7 = vector.load %arg3[%get3A_5, %get3A_6] : memref<128x512xf32, #tpu.memory_space<vmem>>, vector<128x512xf32>
    %dot_general3A = arith.constant dense<0.000000e+00> : vector<2500x512xf32>
    %dot_general3A_8 = tpu.matmul %add3A, %get3A_7, %dot_general3A {dimension_numbers = #tpu.dot_dimension_numbers<[1], [0], [0], [1], [0, 0, 1, 1], [], []>, transpose_lhs_hint = false} : vector<2500x128xf32>, vector<128x512xf32>, vector<2500x512xf32> -> vector<2500x512xf32>
    %reshape3A = vector.shape_cast %dot_general3A_8 : vector<2500x512xf32> to vector<10000x128xf32>
    %swap3A = arith.constant 0 : index
    %swap3A_9 = arith.constant 0 : index
    %swap3A_10 = vector.load %arg4[%swap3A, %swap3A_9] : memref<10000x128xf32, #tpu.memory_space<vmem>>, vector<10000x128xf32>
    tpu.vector_store %arg4[%swap3A, %swap3A_9], %reshape3A {strides = array<i32>} : memref<10000x128xf32, #tpu.memory_space<vmem>>, vector<10000x128xf32>,
    return
  }
  func.func @transform_0(%arg0: i32) -> (i32, i32) {
    %c0_i32 = arith.constant 0 : i32
    %c0_i32_0 = arith.constant 0 : i32
    return %arg0, %c0_i32 : i32, i32
  }
  func.func @transform_1(%arg0: i32) -> (i32, i32) {
    %c0_i32 = arith.constant 0 : i32
    %c0_i32_0 = arith.constant 0 : i32
    return %arg0, %c0_i32 : i32, i32
  }
  func.func @transform_2(%arg0: i32) -> (i32, i32) {
    %c0_i32 = arith.constant 0 : i32
    %c0_i32_0 = arith.constant 0 : i32
    %c0_i32_1 = arith.constant 0 : i32
    return %c0_i32, %c0_i32_0 : i32, i32
  }
  func.func @transform_3(%arg0: i32) -> (i32, i32) {
    %c0_i32 = arith.constant 0 : i32
    %c0_i32_0 = arith.constant 0 : i32
    return %arg0, %c0_i32 : i32, i32
  }
}

</mosaic_0001>

<sc_bundles>
// kernel: kernel.4.cloned.1.call-start
scs
__scs_entry_jumppad:
0x0: {  	(pc) =	sbr.rel $0x88, $3  }
0x1: {  	(tag) =	ssettag $0x0;
	lr =	simm.s32 $0x1  }
0x2: {  	[smem:$0x3F9E] =	sst lr;
	_ =	strace $0xD0000000  }
0x3: {  	_ = 	snop  }
0x4: {  	_ = 	snop  }
0x5: {  	_ = 	snop  }
0x6: {  	_ = 	snop  }
0x7: {  	_ = 	snop  }
__scs_overlays_trampoline_lowered:
0x8: {  	[smem:$0x3FAD] =	sst s0  }
0x9: {  	[smem:$0x3FAE] =	sst s1  }
0xa: {  	[smem:$0x3FAF] =	sst s2  }
0xb: {  	[smem:$0x3FB0] =	sst s3  }
0xc: {  	[smem:$0x3FB1] =	sst s4  }
0xd: {  	[smem:$0x3FB2] =	sst s5  }
0xe: {  	[smem:$0x3FB3] =	sst s6  }
0xf: {  	[smem:$0x3FB4] =	sst s7  }
0x10: {  	[smem:$0x3FB5] =	sst s8  }
0x11: {  	[smem:$0x3FB6] =	sst s9;
	s0 =	simm.s32 @!p0 $0x0  }
0x12: {  	s1 =	sld [smem:$0x3F9C];
	s0 =	simm.s32 @p0 $0x1  }
0x13: {  	[smem:$0x3FB7] =	sst s0;
	s0 =	simm.s32 @!p1 $0x0  }
0x14: {  	s2 =	sld [smem:$0x3F9B];
	s0 =	simm.s32 @p1 $0x1  }
0x15: {  	[smem:$0x3FB8] =	sst s0;
	s0 =	simm.s32 @!p2 $0x0  }
0x16: {  	s3 =	sld [smem:$0x3FDB];
	s0 =	simm.s32 @p2 $0x1  }
0x17: {  	s4 =	simm.s32 $0x1BF5;
	[smem:$0x3FBA] =	sst s0  }
0x18: {  	s0 =	sld [smem:$0x3F9D];
	_ =	swait.ge [sflag:s4], $0x0  }
0x19: {  	s7 =	sld [smem:$0x3F9E]  }
0x1a: {  	s8 =	sadd.s32 $0xFFFFE003, lr  }
0x1b: {  	s9 =	sadd.s32 $0xFFFFFEF7, lr;
	s5 =	simm.s32 $0xFFFFFFFF;
	p2 =	slt.u32 s8, $0xFFFFF086  }
0x1c: {  	p1 =	slt.u32 s9, $0xF7A;
	s5 =	simm.s32 @!p2 $0x0  }
0x1d: {  	s5 =	simm.s32 @p1 $0x1;
	p0 =	seq.s32 s7, s2  }
0x1e: {  	s7 =	smul.u32 @!p0 $0xF7A, s2;
	p2 =	seq.s32 @!p0 s5, $0x0  }
0x1f: {  	s9 =	smul.u32 $0xF7A, s1;
	s8 =	simm.s32 @!p0 $0x1BF5;
	p2 =	por !p2, p0  }
0x20: {  	[sflag:s8] =	ssyncset.s32 @!p0 $0xFFFFF086;
	s6 =	sadd.s32 @!p0 s3, s7;
	s7 =	simm.s32 @!p0 $0x108  }
0x21: {  	s3 =	sadd.s32 s3, s9;
	s6 =	sadd.s32 @!p0 $0x88, s6;
	s7 =	simm.s32 @p2 $0x1082  }
0x22: {  	[simem:s7], [sflag:s8] =	dma.local @!p0 [hbm:s6], $0xF7A  }
0x23: {  	s9 =	sor.u32 $0xD0000000, s2;
	s6 =	simm.s32 $0x108;
	_ =	swait.ge @!p0 [sflag:s8], $0x0  }
0x24: {  	s3 =	sadd.s32 $0x88, s3;
	s6 =	simm.s32 @!p1 $0x1082;
	[sflag:s4] =	ssyncset.s32 $0xFFFFF086  }
0x25: {  	[simem:s6], [sflag:s4] =	dma.local [hbm:s3], $0xF7A  }
0x26: {  	[smem:$0x3F9E] =	sst s1;
	(tag) =	ssettag s2;
	_ =	strace s9  }
0x27: {  	s1 =	sld [smem:$0x3FAE]  }
0x28: {  	s2 =	sld [smem:$0x3FAF]  }
0x29: {  	s4 =	sld [smem:$0x3FB1]  }
0x2a: {  	p0 =	seq.s32 s5, $0x0;
	s5 =	sld [smem:$0x3FB2]  }
0x2b: {  	s6 =	sld [smem:$0x3FB3]  }
0x2c: {  	s7 =	sld [smem:$0x3FB4]  }
0x2d: {  	s3 =	simm.s32 $0x108;
	s8 =	sld [smem:$0x3FB5]  }
0x2e: {  	s3 =	simm.s32 @!p0 $0x1082;
	s9 =	sld [smem:$0x3FB6]  }
0x2f: {  	lr =	sadd.s32 s0, s3;
	s0 =	sld [smem:$0x3FAD]  }
0x30: {  	s3 =	sld [smem:$0x3FB0]  }
0x31: {  	[smem:$0x3FB9] =	sst s10  }
0x32: {  	s10 =	sld [smem:$0x3FB7];
	_ =	sdelay $0x3  }
0x33: {  	p0 =	seq.s32 s10, $0x1;
	s10 =	sld [smem:$0x3FB9];
	_ =	sdelay $0x3  }
0x34: {  	[smem:$0x3FB9] =	sst s10  }
0x35: {  	s10 =	sld [smem:$0x3FB8];
	_ =	sdelay $0x3  }
0x36: {  	p1 =	seq.s32 s10, $0x1;
	s10 =	sld [smem:$0x3FB9];
	_ =	sdelay $0x3  }
0x37: {  	[smem:$0x3FB9] =	sst s10  }
0x38: {  	s10 =	sld [smem:$0x3FBA]  }
0x39: {  	_ = 	snop;
	(pc) =	sbr.ind lr, $3  }
0x3a: {  	_ = 	snop  }
0x3b: {  	_ = 	snop  }
0x3c: {  	p2 =	seq.s32 s10, $0x1;
	s10 =	sld [smem:$0x3FB9]  }
0x3d: {  	_ =	shalt  }
0x3e: {  	_ =	shalt  }
0x3f: {  	_ =	shalt  }
0x40: {  	_ =	shalt  }
0x41: {  	_ =	shalt  }
0x42: {  	_ =	shalt  }
0x43: {  	_ =	shalt  }
0x44: {  	_ =	shalt  }
0x45: {  	_ =	shalt  }
0x46: {  	_ =	shalt  }
0x47: {  	_ =	shalt  }
0x48: {  	_ =	shalt  }
0x49: {  	_ =	shalt  }
0x4a: {  	_ =	shalt  }
0x4b: {  	_ =	shalt  }
0x4c: {  	_ =	shalt  }
0x4d: {  	_ =	shalt  }
0x4e: {  	_ =	shalt  }
0x4f: {  	_ =	shalt  }
0x50: {  	_ =	shalt  }
0x51: {  	_ =	shalt  }
0x52: {  	_ =	shalt  }
0x53: {  	_ =	shalt  }
0x54: {  	_ =	shalt  }
0x55: {  	_ =	shalt  }
0x56: {  	_ =	shalt  }
0x57: {  	_ =	shalt  }
0x58: {  	_ =	shalt  }
0x59: {  	_ =	shalt  }
0x5a: {  	_ =	shalt  }
0x5b: {  	_ =	shalt  }
0x5c: {  	_ =	shalt  }
0x5d: {  	_ =	shalt  }
0x5e: {  	_ =	shalt  }
0x5f: {  	_ =	shalt  }
0x60: {  	_ =	shalt  }
0x61: {  	_ =	shalt  }
0x62: {  	_ =	shalt  }
0x63: {  	_ =	shalt  }
0x64: {  	_ =	shalt  }
0x65: {  	_ =	shalt  }
0x66: {  	_ =	shalt  }
0x67: {  	_ =	shalt  }
0x68: {  	_ =	shalt  }
0x69: {  	_ =	shalt  }
0x6a: {  	_ =	shalt  }
0x6b: {  	_ =	shalt  }
0x6c: {  	_ =	shalt  }
0x6d: {  	_ =	shalt  }
0x6e: {  	_ =	shalt  }
0x6f: {  	_ =	shalt  }
0x70: {  	_ =	shalt  }
0x71: {  	_ =	shalt  }
0x72: {  	_ =	shalt  }
0x73: {  	_ =	shalt  }
0x74: {  	_ =	shalt  }
0x75: {  	_ =	shalt  }
0x76: {  	_ =	shalt  }
0x77: {  	_ =	shalt  }
0x78: {  	_ =	shalt  }
0x79: {  	_ =	shalt  }
0x7a: {  	_ =	shalt  }
0x7b: {  	_ =	shalt  }
0x7c: {  	_ =	shalt  }
0x7d: {  	_ =	shalt  }
0x7e: {  	_ =	shalt  }
0x7f: {  	_ =	shalt  }
0x80: {  	_ =	shalt  }
0x81: {  	_ =	shalt  }
0x82: {  	_ =	shalt  }
0x83: {  	_ =	shalt  }
0x84: {  	_ =	shalt  }
0x85: {  	_ =	shalt  }
0x86: {  	_ =	shalt  }
0x87: {  	_ =	shalt  }
.Lfunc_end0:
.L_simem_size_0:
called_computation_lowered:
.L_overlay_start_0:
0x88: {  	s2 =	sld [smem:$0x3FD9]  }
0x89: {  	s3 =	sld [smem:$0x3FFE];
	_ =	sdelay $0x1  }
0x8a: {  	s1 =	srdreg.scid  }
0x8b: {  	s0 =	sand.u32 $0x1, s1  }
0x8c: {  	s17 =	sshll.u32 s0, $0xA;
	s2 =	sadd.s32 s3, s2  }
0x8d: {  	s2 =	sadd.s32 s2, s17  }
0x8e: {  	[smem:$0x3FC5] =	sst s2  }
0x8f: {  	_ = 	snop  }
0x90: {  	s2 =	sld [smem:$0x3FC9]  }
0x91: {  	s18 =	sld [smem:$0x3FC8]  }
0x92: {  	s4 =	sld [smem:$0x3FD0];
	(tm) =	ssettm $0x1  }
0x93: {  	s5 =	sld [smem:$0x3FFB];
	_ =	sdelay $0x3  }
0x94: {  	_ =	strace s5  }
0x95: {  	s5 =	sld [smem:$0x3FFC];
	_ =	sdelay $0x3  }
0x96: {  	_ =	strace s5  }
0x97: {  	s5 =	sld [smem:$0x3FFD];
	_ =	sdelay $0x3  }
0x98: {  	_ =	strace s5  }
0x99: {  	_ =	strace $0x8FFFFFFF  }
0x9a: {  	s19 =	sld [smem:$0x3FDB];
	_ =	sdelay $0x1  }
0x9b: {  	s6 =	simm.s32 $_scs_section_size  }
0x9c: {  	s7 =	simm.s32 $_size__tile_overlayer_lowered;
	s8 =	simm.s32 $_tile_overlayer_lowered  }
0x9d: {  	s22 =	simm.s32 $0x1BFF;
	s21 =	sshll.u32 s8, $0x1;
	s5 =	sadd.s32 s6, s19  }
0x9e: {  	s9 =	simm.s32 $0x0;
	s20 =	sshll.u32 s7, $0x1;
	s7 =	sadd.s32 s21, s5  }
0x9f: {  	[timem:s9], [sflag:s22] =	dma.local [hbm:s7], s20  }
0xa0: {  	_ =	swait.ge [sflag:s22], s20  }
0xa1: {  	s6 =	ssub.s32 $0x0, s20;
	[sflag:s22] =	ssyncset.done $0x0  }
0xa2: {  	[sflag:s22] =	ssyncadd.s32 s6;
	_ =	sdelay $0x1  }
0xa3: {  	s23 =	simm.s32 $0x1B8B  }
0xa4: {  	_ =	swait.ge [sflag:s23], $0x1  }
0xa5: {  	[sflag:s23] =	ssyncset.done $0x0  }
0xa6: {  	s25 =	simm.s32 $0x1B8E;
	s24 =	sld [smem:$0x3FFE];
	[sflag:s23] =	ssyncadd.s32 $0xFFFFFFFF  }
0xa7: {  	s26 =	simm.s32 $execute0_lowered;
	[smem:$0x3FD2] =	sst s25  }
0xa8: {  	s7 =	sshll.u32 s26, $0x1;
	_ =	strace $0x80000046;
	[dreg:$0x1] =	wrdreg $0xFFFFFFFF  }
0xa9: {  	s28 =	simm.s32 $_size_execute0_lowered;
	s5 =	sadd.s32 s5, s7;
	[dreg:$0x0] =	wrdreg $0x0  }
0xaa: {  	s7 =	sshll.u32 s28, $0x1;
	[dreg:$0x2] =	wrdreg s5  }
0xab: {  	[dreg:$0x3] =	wrdreg s7  }
0xac: {  	[dreg:$0x4] =	wrdreg $0xC0  }
0xad: {  	_ =	task [dreg:s9], $0x5FFFF  }
0xae: {  	[dreg:$0x1] =	wrdreg $0xFFFFFFFF  }
0xaf: {  	[dreg:$0x0] =	wrdreg $0x60  }
0xb0: {  	[dreg:$0x2] =	wrdreg s2  }
0xb1: {  	[dreg:$0x3] =	wrdreg s18  }
0xb2: {  	[dreg:$0x4] =	wrdreg s24  }
0xb3: {  	[dreg:$0x5] =	wrdreg s4  }
0xb4: {  	[dreg:$0x6] =	wrdreg $0x11A000  }
0xb5: {  	[dreg:$0x7] =	wrdreg $0x9  }
0xb6: {  	_ =	task.clear_ibuf [dreg:s9], $0x8FFFF;
	_ =	strace $0x90000046  }
0xb7: {  	s29 =	simm.s32 $0x9;
	_ =	strace $0x80000048  }
0xb8: {  	_ =	swait.ge [sflag:s29], $0x1  }
0xb9: {  	[sflag:s29] =	ssyncadd.s32 $0xFFFFFFFF  }
0xba: {  	_ =	strace $0x90000048  }
0xbb: {  	_ =	sfence  }
0xbc: {  	s30 =	sld [smem:$0x0];
	_ =	sdelay $0x2  }
0xbd: {  	s31 =	sshll.u32 s1, $0xD;
	s1 =	sshrl.u32 s1, $0x2  }
0xbe: {  	s3 =	sand.u32 $0x4000, s31;
	s1 =	sadd.s32 s1, s30  }
0xbf: {  	s0 =	sor.u32 s3, s0;
	s1 =	sshll.u32 s1, $0x11  }
0xc0: {  	s0 =	sor.u32 s1, s0  }
0xc1: {  	s0 =	sadd.s32 $0x8F2B, s0  }
0xc2: {  	[sflag:s0] =	ssyncadd.remote.s32 $0x1  }
0xc3: {  	_ =	sfence.sel $0xFFFF  }
0xc4: {  	[dreg:$0x0] =	wrdreg $0xFFFFFFFF;
	(pc) =	sbr.abs _section_cstart, $3  }
0xc5: {  	[dreg:$0x1] =	wrdreg $0xFFFFFFFF  }
0xc6: {  	_ =	task.clear_ibuf [dreg:s9], $0x2FFFF;
	_ =	strace $0x9FFFFFFF  }
0xc7: {  	(tm) =	ssettm $0x7FFFFFFF  }
tec
execute0_lowered:
.L_overlay_start_1:
0x0: {  	(tag) =	ssettag $0x1  }
0x1: {  	s0 =	rddreg [dreg:$0x1]  }
0x2: {  	s1 =	rddreg [dreg:$0x2]  }
0x3: {  	s3 =	rddreg [dreg:$0x3]  }
0x4: {  	s2 =	rddreg [dreg:$0x4];
	s4 =	srdreg.scid  }
0x5: {  	s10 =	stileid.u32;
	s16 =	simm.s32 $0xCB80;
	s18 =	simm.s32 $0x9C80  }
0x6: {  	s19 =	simm.s32 $0x2;
	s20 =	simm.s32 $0x1;
	s21 =	simm.s32 $0x4  }
0x7: {  	s22 =	simm.s32 $0x6;
	s23 =	simm.s32 $0x3;
	s24 =	simm.s32 $0x9C0  }
0x8: {  	s29 =	simm.s32 $0x5;
	s17 =	simm.s32 $0xF290;
	s25 =	simm.s32 $0x0  }
0x9: {  	s11 =	sand.u32 $0x1, s4;
	s4 =	simm.s32 $0x0;
	s26 =	sadd.s32 $0xE00, s1  }
0xa: {  	s12 =	sadd.s32 $0x1E00, s1;
	s14 =	smul.u32 $0x4E20, s10;
	s5 =	sshll.u32 s11, $0x4  }
0xb: {  	[smem:$0x7FF] =	sst s4;
	s6 =	ssub.s32 $0x2, s11;
	p0 =	seq.s32 s11, $0x1  }
0xc: {  	s15 =	sor.u32 s10, s5;
	_ =	strace $0x80000047;
	[dreg:$0x6] =	wrdreg s26  }
0xd: {  	s8 =	sshrl.u32 s6, $0x1;
	s10 =	sadd.s32 s14, s2;
	s30 =	sadd.s32 $0x2710, s14  }
0xe: {  	s31 =	sshrl.u32 s14, $0x3;
	s3 =	smov.u32 @p0 s12;
	s7 =	smul.u32 $0x4E00, s15  }
0xf: {  	s9 =	smul.u32 $0x9C0, s15;
	s13 =	ssub.s32 s6, s8;
	s8 =	sadd.s32 $0x17C4, s1  }
.Ltmp0:
0x10: {  	s11 =	sadd.s32 s30, s2;
	p0 =	sne.s32 s15, $0x0;
	(pc) =	sbr.rel .LBB2_1-.Ltmp0, $4  }
0x11: {  	s1 =	simm.s32 $0x8;
	s15 =	simm.s32 $0x7;
	s12 =	smax.u32 s13, $0x1  }
0x12: {  	s13 =	sadd.s32 s3, s31;
	s7 =	sshrl.u32 s7, $0x3;
	s28 =	sadd.s32 s0, s9  }
0x13: {  	s9 =	sadd.s32 $0x13800, s0;
	s7 =	sadd.s32 s0, s7;
	s0 =	sshrl.u32 s30, $0x3  }
0x14: {  	[dreg:$0x7] =	wrdreg s28;
	s7 =	sadd.s32 $0x4E0, s7;
	s14 =	sadd.s32 s3, s0  }
.LBB2_11:
0x15: {  	_ =	swait.ge [sflag:s15], $0x9C0  }
0x16: {  	[sflag:s15] =	ssyncset.done $0x0  }
0x17: {  	[sflag:s15] =	ssyncadd.s32 $0xFFFFF640  }
0x18: {  	_ =	swait.ge [sflag:s15], $0x9C0  }
0x19: {  	[sflag:s15] =	ssyncset.done $0x0  }
0x1a: {  	[sflag:s15] =	ssyncadd.s32 $0xFFFFF640  }
0x1b: {  	_ =	swait.ge [sflag:s15], $0x9C0  }
0x1c: {  	[sflag:s15] =	ssyncset.done $0x0  }
0x1d: {  	[sflag:s15] =	ssyncadd.s32 $0xFFFFF640  }
0x1e: {  	_ =	swait.ge [sflag:s15], $0x9C0  }
0x1f: {  	[sflag:s15] =	ssyncset.done $0x0  }
0x20: {  	[sflag:s15] =	ssyncadd.s32 $0xFFFFF640  }
0x21: {  	[bflag:$0x0] =	sbarrier.arrive $0xFFFF  }
0x22: {  	[tilespmem:s16], [sflag:$0x8] =	stream.linear.gather [spmem:s10], $0x2710, $0x38;
	[tilespmem:$0x16820] =	vst v63  }
0x23: {  	_ =	swait.ge [sflag:s1], $0x2710  }
0x24: {  	[sflag:s1] =	ssyncset.done $0x0  }
0x25: {  	[sflag:s1] =	ssyncadd.s32 $0xFFFFD8F0  }
0x26: {  	[hbm4b:s13+s4] =	stream.linear.scatter [tilespmem:s16], [sflag:$0x7], $0x2710, $0x38;
	[tilespmem:$0x16820] =	vst v63  }
0x27: {  	_ = 	snop  }
0x28: {  	[tilespmem:s17], [sflag:$0x8] =	stream.linear.gather [spmem:s11], $0x2710, $0x38;
	[tilespmem:$0x16820] =	vst v63  }
0x29: {  	_ =	swait.ge [sflag:s1], $0x2710  }
0x2a: {  	[sflag:s1] =	ssyncset.done $0x0  }
0x2b: {  	[sflag:s1] =	ssyncadd.s32 $0xFFFFD8F0  }
0x2c: {  	s25 =	sadd.s32 $0x1, s25;
	_ =	swait.ge [sflag:s15], $0x2710  }
0x2d: {  	p1 =	sne.s32 s25, s12;
	[sflag:s15] =	ssyncset.done $0x0  }
.Ltmp1:
0x2e: {  	[sflag:s15] =	ssyncadd.s32 $0xFFFFD8F0;
	(pc) =	sbr.rel @!p1 .LBB2_12-.Ltmp1, $4  }
0x2f: {  	[hbm4b:s14+s4] =	stream.linear.scatter [tilespmem:s17], [sflag:$0x8], $0x2710, $0x38;
	[tilespmem:$0x16820] =	vst v63  }
0x30: {  	_ =	swait.ge [sflag:s1], $0x2710  }
0x31: {  	[sflag:s1] =	ssyncset.done $0x0  }
0x32: {  	[sflag:s1] =	ssyncadd.s32 $0xFFFFD8F0  }
.LBB2_1:
0x33: {  	s0 =	rddreg [dreg:$0x0]  }
0x34: {  	[tilespmem:s4], [sflag:$0x1] =	stream.linear.gather [hbm4b:s0+s4], $0x2780, $0x38;
	[tilespmem:$0x16820] =	vst v63  }
0x35: {  	s6 =	rddreg [dreg:$0x7];
	s3 =	simm.s32 $0x2780  }
0x36: {  	[tilespmem:s3], [sflag:$0x4] =	stream.linear.gather [hbm4b:s6+s4], $0x2700, $0x38;
	[tilespmem:$0x16820] =	vst v63  }
0x37: {  	s26 =	rddreg [dreg:$0x6]  }
0x38: {  	[tilespmem:s16], [sflag:$0x2] =	stream.linear.gather [hbm4b:s26+s4], $0x4E20, $0x38;
	[tilespmem:$0x16820] =	vst v63  }
0x39: {  	s31 =	simm.s32 $0x4E80  }
0x3a: {  	[tilespmem:s31], [sflag:$0x5] =	stream.linear.gather [hbm4b:s7+s4], $0x2700, $0x38;
	[tilespmem:$0x16820] =	vst v63  }
0x3b: {  	_ = 	snop  }
0x3c: {  	[tilespmem:s18], [sflag:$0x6] =	stream.linear.gather [hbm4b:s8+s4], $0x2700, $0x38;
	[tilespmem:$0x16820] =	vst v63  }
0x3d: {  	s28 =	simm.s32 @!p0 $0xC380;
	s26 =	simm.s32 @!p0 $0x0  }
0x3e: {  	[tilespmem:s28], [sflag:$0x8] =	stream.linear.gather @!p0 [hbm4b:s9+s26], $0x400, $0x38;
	[tilespmem:$0x16820] =	vst v63  }
0x3f: {  	s28 =	simm.s32 @!p0 $0x8  }
0x40: {  	_ =	swait.ge @!p0 [sflag:s28], $0x400  }
0x41: {  	[sflag:s28] =	ssyncset.done @!p0 $0x0  }
0x42: {  	s30 =	simm.s32 @!p0 $0xC980;
	[sflag:s28] =	ssyncadd.s32 @!p0 $0xFFFFFC00  }
0x43: {  	[tilespmem:s30], [sflag:$0x8] =	stream.linear.gather @!p0 [hbm4b:s8+s26], $0x200, $0x38;
	[tilespmem:$0x16820] =	vst v63  }
0x44: {  	_ =	swait.ge @!p0 [sflag:s28], $0x200  }
0x45: {  	[sflag:s28] =	ssyncset.done @!p0 $0x0  }
0x46: {  	[sflag:s28] =	ssyncadd.s32 @!p0 $0xFFFFFE00  }
0x47: {  	_ =	swait.ge [sflag:s19], $0x4E20  }
0x48: {  	[sflag:s19] =	ssyncset.done $0x0  }
0x49: {  	[sflag:s19] =	ssyncadd.s32 $0xFFFFB1E0  }
0x4a: {  	[spmem:s10] =	stream.linear.scatter [tilespmem:s16], [sflag:$0x3], $0x4E20, $0x38;
	[tilespmem:$0x16820] =	vst v63  }
0x4b: {  	_ =	swait.ge [sflag:s20], $0x2780  }
0x4c: {  	[sflag:s20] =	ssyncset.done $0x0  }
0x4d: {  	[sflag:s20] =	ssyncadd.s32 $0xFFFFD880  }
0x4e: {  	_ =	swait.ge [sflag:s21], $0x2700  }
0x4f: {  	s26 =	simm.s32 $0x7580;
	[sflag:s21] =	ssyncset.done $0x0  }
0x50: {  	s30 =	simm.s32 $0x0;
	s28 =	simm.s32 $0x0;
	[sflag:s21] =	ssyncadd.s32 $0xFFFFD900  }
.LBB2_2:
0x51: {  	s31 =	sand.u32 $0x1F00, s28  }
0x52: {  	s0 =	sand.u32 $0x40, s30;
	s31 =	sadd.s32 $0x2780, s31  }
0x53: {  	s3 =	sor.u32 s0, s31  }
0x54: {  	v0 =	vld [tilespmem:s3+$0x0];
	_ =	sdelay $0x6  }
0x55: {  	v1 =	vld [tilespmem:s3+$0x80]  }
0x56: {  	v0 =	vld.idx.msk [tilespmem:v0+s4+$0x0], $0xffff;
	_ =	sdelay $0x3  }
0x57: {  	v1 =	vshll.u32 v1, $0x5  }
0x58: {  	s3 =	sor.u32 $0x10, s0;
	v0 =	vadd.s32 v0, v1  }
0x59: {  	s5 =	sor.u32 s3, s31;
	[tilespmem:s26+$0x0] =	vst v0  }
0x5a: {  	v0 =	vld [tilespmem:s5+$0x0];
	_ =	sdelay $0x6  }
0x5b: {  	v61 =	vld [tilespmem:s5+$0x80]  }
0x5c: {  	v0 =	vld.idx.msk [tilespmem:v0+s4+$0x0], $0xffff;
	_ =	sdelay $0x2  }
0x5d: {  	s6 =	sand.u32 $0xF80, s30  }
0x5e: {  	s5 =	sadd.s32 $0x7580, s6;
	v1 =	vshll.u32 v61, $0x5  }
0x5f: {  	s6 =	sor.u32 $0x20, s0;
	s3 =	sor.u32 s3, s5;
	v0 =	vadd.s32 v0, v1  }
0x60: {  	[tilespmem:s3+$0x0] =	vst v0;
	s3 =	sor.u32 s6, s31  }
0x61: {  	v0 =	vld [tilespmem:s3+$0x0];
	_ =	sdelay $0x6  }
0x62: {  	v62 =	vld [tilespmem:s3+$0x80]  }
0x63: {  	v0 =	vld.idx.msk [tilespmem:v0+s4+$0x0], $0xffff;
	_ =	sdelay $0x3  }
0x64: {  	v1 =	vshll.u32 v62, $0x5  }
0x65: {  	s0 =	sor.u32 $0x30, s0;
	s6 =	sor.u32 s6, s5;
	v0 =	vadd.s32 v0, v1  }
0x66: {  	s31 =	sor.u32 s0, s31;
	[tilespmem:s6+$0x0] =	vst v0  }
0x67: {  	v0 =	vld [tilespmem:s31+$0x0];
	_ =	sdelay $0x6  }
0x68: {  	v63 =	vld [tilespmem:s31+$0x80]  }
0x69: {  	v0 =	vld.idx.msk [tilespmem:v0+s4+$0x0], $0xffff  }
0x6a: {  	p1 =	sne.s32 s30, $0x980  }
.Ltmp2:
0x6b: {  	_ = 	snop;
	(pc) =	sbr.rel @p1 .LBB2_2-.Ltmp2, $4  }
0x6c: {  	_ = 	snop  }
0x6d: {  	v1 =	vshll.u32 v63, $0x5  }
0x6e: {  	s0 =	sor.u32 s0, s5;
	v0 =	vadd.s32 v0, v1  }
0x6f: {  	s28 =	sadd.s32 $0x80, s28;
	s30 =	sadd.s32 $0x40, s30;
	s26 =	sadd.s32 $0x40, s26;
	[tilespmem:s0+$0x0] =	vst v0  }
0x70: {  	_ =	swait.ge [sflag:s22], $0x2700  }
0x71: {  	[sflag:s22] =	ssyncset.done $0x0  }
0x72: {  	[sflag:s22] =	ssyncadd.s32 $0xFFFFD900  }
0x73: {  	_ =	swait.ge [sflag:s23], $0x4E20  }
0x74: {  	[sflag:s23] =	ssyncset.done $0x0  }
0x75: {  	s0 =	simm.s32 $0x7580;
	s26 =	simm.s32 $0x1380;
	[sflag:s23] =	ssyncadd.s32 $0xFFFFB1E0  }
0x76: {  	s28 =	simm.s32 $0x9F0;
	s30 =	simm.s32 $0x7F70;
	[bflag:$0x0] =	sbarrier.arrive $0xFFFF  }
0x77: {  	[spmem:s2] =	stream.indirect.scatter.add.f32 [tilespmem:s18], [sflag:$0x7], $0x1, s0, s24, $0xb8;
	[tilespmem:$0x16820] =	vst v63  }
.LBB2_4:
0x78: {  	s0 =	sadd.s32 $0xFFFFFFD0, s28  }
0x79: {  	s3 =	sand.u32 $0x3F00, s26;
	s0 =	sand.u32 $0x40, s0  }
0x7a: {  	s0 =	sor.u32 s0, s3  }
0x7b: {  	v0 =	vld [tilespmem:s0+$0x2780];
	_ =	sdelay $0x6  }
0x7c: {  	v1 =	vld [tilespmem:s0+$0x2800]  }
0x7d: {  	v0 =	vld.idx.msk [tilespmem:v0+s4+$0x0], $0xffff;
	_ =	sdelay $0x3  }
0x7e: {  	s6 =	sadd.s32 $0xFFFFFFE0, s28;
	s31 =	sadd.s32 $0x20, s26;
	v1 =	vshll.u32 v1, $0x5  }
0x7f: {  	s3 =	sand.u32 $0x3F00, s31;
	s0 =	sand.u32 $0x50, s6;
	v0 =	vadd.s32 v0, v1  }
0x80: {  	s0 =	sor.u32 s0, s3;
	[tilespmem:s30+$0xFFFFFFD0] =	vst v0  }
0x81: {  	v0 =	vld [tilespmem:s0+$0x2780];
	_ =	sdelay $0x6  }
0x82: {  	v61 =	vld [tilespmem:s0+$0x2800]  }
0x83: {  	v0 =	vld.idx.msk [tilespmem:v0+s4+$0x0], $0xffff;
	_ =	sdelay $0x3  }
0x84: {  	s5 =	sadd.s32 $0x40, s26;
	s3 =	sadd.s32 $0xFFFFFFF0, s28;
	v1 =	vshll.u32 v61, $0x5  }
0x85: {  	s0 =	sand.u32 $0x60, s3;
	s3 =	sand.u32 $0x3F00, s5;
	v0 =	vadd.s32 v0, v1  }
0x86: {  	s0 =	sor.u32 s0, s3;
	[tilespmem:s30+$0xFFFFFFE0] =	vst v0  }
0x87: {  	v0 =	vld [tilespmem:s0+$0x2780];
	_ =	sdelay $0x6  }
0x88: {  	v62 =	vld [tilespmem:s0+$0x2800]  }
0x89: {  	v0 =	vld.idx.msk [tilespmem:v0+s4+$0x0], $0xffff;
	_ =	sdelay $0x3  }
0x8a: {  	s6 =	sadd.s32 $0x60, s26;
	v1 =	vshll.u32 v62, $0x5  }
0x8b: {  	s31 =	sand.u32 $0x70, s28;
	s0 =	sand.u32 $0x3F00, s6;
	v0 =	vadd.s32 v0, v1  }
0x8c: {  	s0 =	sor.u32 s31, s0;
	[tilespmem:s30+$0xFFFFFFF0] =	vst v0  }
0x8d: {  	v0 =	vld [tilespmem:s0+$0x2780];
	_ =	sdelay $0x6  }
0x8e: {  	v63 =	vld [tilespmem:s0+$0x2800]  }
0x8f: {  	v0 =	vld.idx.msk [tilespmem:v0+s4+$0x0], $0xffff  }
0x90: {  	p1 =	sne.s32 s26, $0x2680  }
.Ltmp3:
0x91: {  	_ = 	snop;
	(pc) =	sbr.rel @p1 .LBB2_4-.Ltmp3, $4  }
0x92: {  	_ = 	snop  }
0x93: {  	v1 =	vshll.u32 v63, $0x5  }
0x94: {  	v0 =	vadd.s32 v0, v1  }
0x95: {  	s26 =	sadd.s32 $0x80, s26;
	s28 =	sadd.s32 $0x40, s28;
	[tilespmem:s30+$0x0] =	vst v0;
	s30 =	sadd.s32 $0x40, s30  }
0x96: {  	s0 =	simm.s32 $0x7F40;
	s3 =	simm.s32 $0xA640  }
0x97: {  	[spmem:s2] =	stream.indirect.scatter.add.f32 [tilespmem:s3], [sflag:$0x7], $0x1, s0, s24, $0xb8;
	[tilespmem:$0x16820] =	vst v63  }
0x98: {  	_ =	swait.ge [sflag:s29], $0x2700  }
0x99: {  	s26 =	simm.s32 $0x0;
	[sflag:s29] =	ssyncset.done $0x0  }
0x9a: {  	s28 =	simm.s32 $0x2700;
	s30 =	simm.s32 $0x8930;
	[sflag:s29] =	ssyncadd.s32 $0xFFFFD900  }
.LBB2_6:
0x9b: {  	s0 =	sand.u32 $0x40, s26;
	s3 =	sand.u32 $0x7F00, s28  }
0x9c: {  	s3 =	sor.u32 s0, s3  }
0x9d: {  	v0 =	vld [tilespmem:s3+$0x2780];
	_ =	sdelay $0x6  }
0x9e: {  	v1 =	vld [tilespmem:s3+$0x2800]  }
0x9f: {  	v0 =	vld.idx.msk [tilespmem:v0+s4+$0x0], $0xffff;
	_ =	sdelay $0x2  }
0xa0: {  	s31 =	sadd.s32 $0x1380, s26  }
0xa1: {  	s5 =	sadd.s32 $0x1390, s26;
	s6 =	sadd.s32 $0x20, s28;
	s3 =	sand.u32 $0x3F80, s31;
	v1 =	vshll.u32 v1, $0x5  }
0xa2: {  	s5 =	sand.u32 $0x50, s5;
	s6 =	sand.u32 $0x7F00, s6;
	s0 =	sor.u32 s0, s3;
	v0 =	vadd.s32 v0, v1  }
0xa3: {  	s31 =	sor.u32 s5, s6;
	[tilespmem:s0+$0x7580] =	vst v0  }
0xa4: {  	v0 =	vld [tilespmem:s31+$0x2780];
	_ =	sdelay $0x6  }
0xa5: {  	v61 =	vld [tilespmem:s31+$0x2800]  }
0xa6: {  	v0 =	vld.idx.msk [tilespmem:v0+s4+$0x0], $0xffff;
	_ =	sdelay $0x3  }
0xa7: {  	s5 =	sadd.s32 $0x40, s28;
	s3 =	sadd.s32 $0x13A0, s26;
	v1 =	vshll.u32 v61, $0x5  }
0xa8: {  	s0 =	sand.u32 $0x60, s3;
	s3 =	sand.u32 $0x7F00, s5;
	v0 =	vadd.s32 v0, v1  }
0xa9: {  	s0 =	sor.u32 s0, s3;
	[tilespmem:s30+$0xFFFFFFE0] =	vst v0  }
0xaa: {  	v0 =	vld [tilespmem:s0+$0x2780];
	_ =	sdelay $0x6  }
0xab: {  	v62 =	vld [tilespmem:s0+$0x2800]  }
0xac: {  	v0 =	vld.idx.msk [tilespmem:v0+s4+$0x0], $0xffff;
	_ =	sdelay $0x3  }
0xad: {  	s6 =	sadd.s32 $0x13B0, s26;
	s31 =	sadd.s32 $0x60, s28;
	v1 =	vshll.u32 v62, $0x5  }
0xae: {  	s3 =	sand.u32 $0x7F00, s31;
	s0 =	sand.u32 $0x70, s6;
	v0 =	vadd.s32 v0, v1  }
0xaf: {  	s0 =	sor.u32 s0, s3;
	[tilespmem:s30+$0xFFFFFFF0] =	vst v0  }
0xb0: {  	v0 =	vld [tilespmem:s0+$0x2780];
	_ =	sdelay $0x6  }
0xb1: {  	v63 =	vld [tilespmem:s0+$0x2800]  }
0xb2: {  	v0 =	vld.idx.msk [tilespmem:v0+s4+$0x0], $0xffff  }
0xb3: {  	p1 =	sne.s32 s26, $0x980  }
.Ltmp4:
0xb4: {  	_ = 	snop;
	(pc) =	sbr.rel @p1 .LBB2_6-.Ltmp4, $4  }
0xb5: {  	_ = 	snop  }
0xb6: {  	v1 =	vshll.u32 v63, $0x5  }
0xb7: {  	v0 =	vadd.s32 v0, v1  }
0xb8: {  	s26 =	sadd.s32 $0x40, s26;
	s28 =	sadd.s32 $0x80, s28;
	[tilespmem:s30+$0x0] =	vst v0;
	s30 =	sadd.s32 $0x40, s30  }
0xb9: {  	s0 =	simm.s32 $0x8900;
	s3 =	simm.s32 $0xB000  }
0xba: {  	s26 =	simm.s32 $0x3A80;
	s28 =	simm.s32 $0x1D70;
	s30 =	simm.s32 $0x92F0  }
0xbb: {  	[spmem:s2] =	stream.indirect.scatter.add.f32 [tilespmem:s3], [sflag:$0x7], $0x1, s0, s24, $0xb8;
	[tilespmem:$0x16820] =	vst v63  }
.LBB2_8:
0xbc: {  	s0 =	sadd.s32 $0xFFFFFFD0, s28  }
0xbd: {  	s3 =	sand.u32 $0x7F00, s26;
	s0 =	sand.u32 $0x40, s0  }
0xbe: {  	s0 =	sor.u32 s0, s3  }
0xbf: {  	v0 =	vld [tilespmem:s0+$0x2780];
	_ =	sdelay $0x6  }
0xc0: {  	v1 =	vld [tilespmem:s0+$0x2800]  }
0xc1: {  	v0 =	vld.idx.msk [tilespmem:v0+s4+$0x0], $0xffff;
	_ =	sdelay $0x3  }
0xc2: {  	s6 =	sadd.s32 $0xFFFFFFE0, s28;
	s31 =	sadd.s32 $0x20, s26;
	v1 =	vshll.u32 v1, $0x5  }
0xc3: {  	s3 =	sand.u32 $0x7F00, s31;
	s0 =	sand.u32 $0x50, s6;
	v0 =	vadd.s32 v0, v1  }
0xc4: {  	s0 =	sor.u32 s0, s3;
	[tilespmem:s30+$0xFFFFFFD0] =	vst v0  }
0xc5: {  	v0 =	vld [tilespmem:s0+$0x2780];
	_ =	sdelay $0x6  }
0xc6: {  	v61 =	vld [tilespmem:s0+$0x2800]  }
0xc7: {  	v0 =	vld.idx.msk [tilespmem:v0+s4+$0x0], $0xffff;
	_ =	sdelay $0x3  }
0xc8: {  	s5 =	sadd.s32 $0x40, s26;
	s3 =	sadd.s32 $0xFFFFFFF0, s28;
	v1 =	vshll.u32 v61, $0x5  }
0xc9: {  	s0 =	sand.u32 $0x60, s3;
	s3 =	sand.u32 $0x7F00, s5;
	v0 =	vadd.s32 v0, v1  }
0xca: {  	s0 =	sor.u32 s0, s3;
	[tilespmem:s30+$0xFFFFFFE0] =	vst v0  }
0xcb: {  	v0 =	vld [tilespmem:s0+$0x2780];
	_ =	sdelay $0x6  }
0xcc: {  	v62 =	vld [tilespmem:s0+$0x2800]  }
0xcd: {  	v0 =	vld.idx.msk [tilespmem:v0+s4+$0x0], $0xffff;
	_ =	sdelay $0x3  }
0xce: {  	s6 =	sadd.s32 $0x60, s26;
	v1 =	vshll.u32 v62, $0x5  }
0xcf: {  	s31 =	sand.u32 $0x70, s28;
	s0 =	sand.u32 $0x7F00, s6;
	v0 =	vadd.s32 v0, v1  }
0xd0: {  	s0 =	sor.u32 s31, s0;
	[tilespmem:s30+$0xFFFFFFF0] =	vst v0  }
0xd1: {  	v0 =	vld [tilespmem:s0+$0x2780];
	_ =	sdelay $0x6  }
0xd2: {  	v63 =	vld [tilespmem:s0+$0x2800]  }
0xd3: {  	v0 =	vld.idx.msk [tilespmem:v0+s4+$0x0], $0xffff  }
0xd4: {  	p1 =	sne.s32 s26, $0x4D80  }
.Ltmp5:
0xd5: {  	_ = 	snop;
	(pc) =	sbr.rel @p1 .LBB2_8-.Ltmp5, $4  }
0xd6: {  	_ = 	snop  }
0xd7: {  	v1 =	vshll.u32 v63, $0x5  }
0xd8: {  	v0 =	vadd.s32 v0, v1  }
0xd9: {  	s26 =	sadd.s32 $0x80, s26;
	s28 =	sadd.s32 $0x40, s28;
	[tilespmem:s30+$0x0] =	vst v0;
	s30 =	sadd.s32 $0x40, s30  }
.Ltmp6:
0xda: {  	(pc) =	sbr.rel @p0 .LBB2_11-.Ltmp6, $3  }
0xdb: {  	_ =	sdelay $0x1  }
0xdc: {  	s0 =	simm.s32 $0x92C0;
	s3 =	simm.s32 $0xB9C0  }
0xdd: {  	[spmem:s2] =	stream.indirect.scatter.add.f32 [tilespmem:s3], [sflag:$0x7], $0x1, s0, s24, $0xb8;
	[tilespmem:$0x16820] =	vst v63  }
0xde: {  	v0 =	vld [tilespmem:$0xC380];
	_ =	sdelay $0x5  }
0xdf: {  	v1 =	vld [tilespmem:$0xC400]  }
0xe0: {  	v2 =	vld [tilespmem:$0xC390]  }
0xe1: {  	v0 =	vld.idx.msk [tilespmem:v0+s4+$0x0], $0xffff;
	_ =	sdelay $0x3  }
0xe2: {  	v1 =	vshll.u32 v1, $0x5  }
0xe3: {  	v63 =	vld [tilespmem:$0xC410];
	v0 =	vadd.s32 v0, v1  }
0xe4: {  	v4 =	vld [tilespmem:$0xC3A0];
	[tilespmem:$0xC780] =	vst v0  }
0xe5: {  	v2 =	vld.idx.msk [tilespmem:v2+s4+$0x0], $0xffff;
	_ =	sdelay $0x3  }
0xe6: {  	v1 =	vshll.u32 v63, $0x5  }
0xe7: {  	v5 =	vld [tilespmem:$0xC420];
	v1 =	vadd.s32 v2, v1  }
0xe8: {  	v6 =	vld [tilespmem:$0xC3B0];
	[tilespmem:$0xC790] =	vst v1  }
0xe9: {  	v0 =	vld.idx.msk [tilespmem:v4+s4+$0x0], $0xffff;
	_ =	sdelay $0x3  }
0xea: {  	v2 =	vshll.u32 v5, $0x5  }
0xeb: {  	v7 =	vld [tilespmem:$0xC430];
	v0 =	vadd.s32 v0, v2  }
0xec: {  	v8 =	vld [tilespmem:$0xC3C0];
	[tilespmem:$0xC7A0] =	vst v0  }
0xed: {  	v1 =	vld.idx.msk [tilespmem:v6+s4+$0x0], $0xffff;
	_ =	sdelay $0x3  }
0xee: {  	v2 =	vshll.u32 v7, $0x5  }
0xef: {  	v9 =	vld [tilespmem:$0xC440];
	v1 =	vadd.s32 v1, v2  }
0xf0: {  	v10 =	vld [tilespmem:$0xC3D0];
	[tilespmem:$0xC7B0] =	vst v1  }
0xf1: {  	v0 =	vld.idx.msk [tilespmem:v8+s4+$0x0], $0xffff;
	_ =	sdelay $0x3  }
0xf2: {  	v2 =	vshll.u32 v9, $0x5  }
0xf3: {  	v11 =	vld [tilespmem:$0xC450];
	v0 =	vadd.s32 v0, v2  }
0xf4: {  	v12 =	vld [tilespmem:$0xC3E0];
	[tilespmem:$0xC7C0] =	vst v0  }
0xf5: {  	v1 =	vld.idx.msk [tilespmem:v10+s4+$0x0], $0xffff;
	_ =	sdelay $0x3  }
0xf6: {  	v2 =	vshll.u32 v11, $0x5  }
0xf7: {  	v13 =	vld [tilespmem:$0xC460];
	v1 =	vadd.s32 v1, v2  }
0xf8: {  	v14 =	vld [tilespmem:$0xC3F0];
	[tilespmem:$0xC7D0] =	vst v1  }
0xf9: {  	v0 =	vld.idx.msk [tilespmem:v12+s4+$0x0], $0xffff;
	_ =	sdelay $0x3  }
0xfa: {  	v2 =	vshll.u32 v13, $0x5  }
0xfb: {  	v15 =	vld [tilespmem:$0xC470];
	v0 =	vadd.s32 v0, v2  }
0xfc: {  	v16 =	vld [tilespmem:$0xC480];
	[tilespmem:$0xC7E0] =	vst v0  }
0xfd: {  	v1 =	vld.idx.msk [tilespmem:v14+s4+$0x0], $0xffff;
	_ =	sdelay $0x3  }
0xfe: {  	v2 =	vshll.u32 v15, $0x5  }
0xff: {  	v17 =	vld [tilespmem:$0xC500];
	v1 =	vadd.s32 v1, v2  }
0x100: {  	v18 =	vld [tilespmem:$0xC490];
	[tilespmem:$0xC7F0] =	vst v1  }
0x101: {  	v0 =	vld.idx.msk [tilespmem:v16+s4+$0x0], $0xffff;
	_ =	sdelay $0x3  }
0x102: {  	v2 =	vshll.u32 v17, $0x5  }
0x103: {  	v19 =	vld [tilespmem:$0xC510];
	v0 =	vadd.s32 v0, v2  }
0x104: {  	v20 =	vld [tilespmem:$0xC4A0];
	[tilespmem:$0xC800] =	vst v0  }
0x105: {  	v1 =	vld.idx.msk [tilespmem:v18+s4+$0x0], $0xffff;
	_ =	sdelay $0x3  }
0x106: {  	v2 =	vshll.u32 v19, $0x5  }
0x107: {  	v21 =	vld [tilespmem:$0xC520];
	v1 =	vadd.s32 v1, v2  }
0x108: {  	v22 =	vld [tilespmem:$0xC4B0];
	[tilespmem:$0xC810] =	vst v1  }
0x109: {  	v0 =	vld.idx.msk [tilespmem:v20+s4+$0x0], $0xffff;
	_ =	sdelay $0x3  }
0x10a: {  	v2 =	vshll.u32 v21, $0x5  }
0x10b: {  	v23 =	vld [tilespmem:$0xC530];
	v0 =	vadd.s32 v0, v2  }
0x10c: {  	v24 =	vld [tilespmem:$0xC4C0];
	[tilespmem:$0xC820] =	vst v0  }
0x10d: {  	v1 =	vld.idx.msk [tilespmem:v22+s4+$0x0], $0xffff;
	_ =	sdelay $0x3  }
0x10e: {  	v2 =	vshll.u32 v23, $0x5  }
0x10f: {  	v25 =	vld [tilespmem:$0xC540];
	v1 =	vadd.s32 v1, v2  }
0x110: {  	v26 =	vld [tilespmem:$0xC4D0];
	[tilespmem:$0xC830] =	vst v1  }
0x111: {  	v0 =	vld.idx.msk [tilespmem:v24+s4+$0x0], $0xffff;
	_ =	sdelay $0x3  }
0x112: {  	v2 =	vshll.u32 v25, $0x5  }
0x113: {  	v27 =	vld [tilespmem:$0xC550];
	v0 =	vadd.s32 v0, v2  }
0x114: {  	v28 =	vld [tilespmem:$0xC4E0];
	[tilespmem:$0xC840] =	vst v0  }
0x115: {  	v1 =	vld.idx.msk [tilespmem:v26+s4+$0x0], $0xffff;
	_ =	sdelay $0x3  }
0x116: {  	v2 =	vshll.u32 v27, $0x5  }
0x117: {  	v29 =	vld [tilespmem:$0xC560];
	v1 =	vadd.s32 v1, v2  }
0x118: {  	v30 =	vld [tilespmem:$0xC4F0];
	[tilespmem:$0xC850] =	vst v1  }
0x119: {  	v0 =	vld.idx.msk [tilespmem:v28+s4+$0x0], $0xffff;
	_ =	sdelay $0x3  }
0x11a: {  	v2 =	vshll.u32 v29, $0x5  }
0x11b: {  	v31 =	vld [tilespmem:$0xC570];
	v0 =	vadd.s32 v0, v2  }
0x11c: {  	v32 =	vld [tilespmem:$0xC580];
	[tilespmem:$0xC860] =	vst v0  }
0x11d: {  	v1 =	vld.idx.msk [tilespmem:v30+s4+$0x0], $0xffff;
	_ =	sdelay $0x3  }
0x11e: {  	v2 =	vshll.u32 v31, $0x5  }
0x11f: {  	v33 =	vld [tilespmem:$0xC600];
	v1 =	vadd.s32 v1, v2  }
0x120: {  	v34 =	vld [tilespmem:$0xC590];
	[tilespmem:$0xC870] =	vst v1  }
0x121: {  	v0 =	vld.idx.msk [tilespmem:v32+s4+$0x0], $0xffff;
	_ =	sdelay $0x3  }
0x122: {  	v2 =	vshll.u32 v33, $0x5  }
0x123: {  	v35 =	vld [tilespmem:$0xC610];
	v0 =	vadd.s32 v0, v2  }
0x124: {  	v36 =	vld [tilespmem:$0xC5A0];
	[tilespmem:$0xC880] =	vst v0  }
0x125: {  	v1 =	vld.idx.msk [tilespmem:v34+s4+$0x0], $0xffff;
	_ =	sdelay $0x3  }
0x126: {  	v2 =	vshll.u32 v35, $0x5  }
0x127: {  	v37 =	vld [tilespmem:$0xC620];
	v1 =	vadd.s32 v1, v2  }
0x128: {  	v38 =	vld [tilespmem:$0xC5B0];
	[tilespmem:$0xC890] =	vst v1  }
0x129: {  	v0 =	vld.idx.msk [tilespmem:v36+s4+$0x0], $0xffff;
	_ =	sdelay $0x3  }
0x12a: {  	v2 =	vshll.u32 v37, $0x5  }
0x12b: {  	v39 =	vld [tilespmem:$0xC630];
	v0 =	vadd.s32 v0, v2  }
0x12c: {  	v40 =	vld [tilespmem:$0xC5C0];
	[tilespmem:$0xC8A0] =	vst v0  }
0x12d: {  	v1 =	vld.idx.msk [tilespmem:v38+s4+$0x0], $0xffff;
	_ =	sdelay $0x3  }
0x12e: {  	v2 =	vshll.u32 v39, $0x5  }
0x12f: {  	v41 =	vld [tilespmem:$0xC640];
	v1 =	vadd.s32 v1, v2  }
0x130: {  	v42 =	vld [tilespmem:$0xC5D0];
	[tilespmem:$0xC8B0] =	vst v1  }
0x131: {  	v0 =	vld.idx.msk [tilespmem:v40+s4+$0x0], $0xffff;
	_ =	sdelay $0x3  }
0x132: {  	v2 =	vshll.u32 v41, $0x5  }
0x133: {  	v43 =	vld [tilespmem:$0xC650];
	v0 =	vadd.s32 v0, v2  }
0x134: {  	v44 =	vld [tilespmem:$0xC5E0];
	[tilespmem:$0xC8C0] =	vst v0  }
0x135: {  	v1 =	vld.idx.msk [tilespmem:v42+s4+$0x0], $0xffff;
	_ =	sdelay $0x3  }
0x136: {  	v2 =	vshll.u32 v43, $0x5  }
0x137: {  	v45 =	vld [tilespmem:$0xC660];
	v1 =	vadd.s32 v1, v2  }
0x138: {  	v46 =	vld [tilespmem:$0xC5F0];
	[tilespmem:$0xC8D0] =	vst v1  }
0x139: {  	v0 =	vld.idx.msk [tilespmem:v44+s4+$0x0], $0xffff;
	_ =	sdelay $0x3  }
0x13a: {  	v2 =	vshll.u32 v45, $0x5  }
0x13b: {  	v47 =	vld [tilespmem:$0xC670];
	v0 =	vadd.s32 v0, v2  }
0x13c: {  	v48 =	vld [tilespmem:$0xC680];
	[tilespmem:$0xC8E0] =	vst v0  }
0x13d: {  	v1 =	vld.idx.msk [tilespmem:v46+s4+$0x0], $0xffff;
	_ =	sdelay $0x3  }
0x13e: {  	v2 =	vshll.u32 v47, $0x5  }
0x13f: {  	v49 =	vld [tilespmem:$0xC700];
	v1 =	vadd.s32 v1, v2  }
0x140: {  	v50 =	vld [tilespmem:$0xC690];
	[tilespmem:$0xC8F0] =	vst v1  }
0x141: {  	v0 =	vld.idx.msk [tilespmem:v48+s4+$0x0], $0xffff;
	_ =	sdelay $0x3  }
0x142: {  	v2 =	vshll.u32 v49, $0x5  }
0x143: {  	v51 =	vld [tilespmem:$0xC710];
	v0 =	vadd.s32 v0, v2  }
0x144: {  	v52 =	vld [tilespmem:$0xC6A0];
	[tilespmem:$0xC900] =	vst v0  }
0x145: {  	v1 =	vld.idx.msk [tilespmem:v50+s4+$0x0], $0xffff;
	_ =	sdelay $0x3  }
0x146: {  	v2 =	vshll.u32 v51, $0x5  }
0x147: {  	v53 =	vld [tilespmem:$0xC720];
	v1 =	vadd.s32 v1, v2  }
0x148: {  	v54 =	vld [tilespmem:$0xC6B0];
	[tilespmem:$0xC910] =	vst v1  }
0x149: {  	v0 =	vld.idx.msk [tilespmem:v52+s4+$0x0], $0xffff;
	_ =	sdelay $0x3  }
0x14a: {  	v2 =	vshll.u32 v53, $0x5  }
0x14b: {  	v55 =	vld [tilespmem:$0xC730];
	v0 =	vadd.s32 v0, v2  }
0x14c: {  	v56 =	vld [tilespmem:$0xC6C0];
	[tilespmem:$0xC920] =	vst v0  }
0x14d: {  	v1 =	vld.idx.msk [tilespmem:v54+s4+$0x0], $0xffff;
	_ =	sdelay $0x3  }
0x14e: {  	v2 =	vshll.u32 v55, $0x5  }
0x14f: {  	v57 =	vld [tilespmem:$0xC740];
	v1 =	vadd.s32 v1, v2  }
0x150: {  	v58 =	vld [tilespmem:$0xC6D0];
	[tilespmem:$0xC930] =	vst v1  }
0x151: {  	v0 =	vld.idx.msk [tilespmem:v56+s4+$0x0], $0xffff;
	_ =	sdelay $0x3  }
0x152: {  	v2 =	vshll.u32 v57, $0x5  }
0x153: {  	v59 =	vld [tilespmem:$0xC750];
	v0 =	vadd.s32 v0, v2  }
0x154: {  	v60 =	vld [tilespmem:$0xC6E0];
	[tilespmem:$0xC940] =	vst v0  }
0x155: {  	v1 =	vld.idx.msk [tilespmem:v58+s4+$0x0], $0xffff;
	_ =	sdelay $0x3  }
0x156: {  	v2 =	vshll.u32 v59, $0x5  }
0x157: {  	v61 =	vld [tilespmem:$0xC760];
	v1 =	vadd.s32 v1, v2  }
0x158: {  	v62 =	vld [tilespmem:$0xC6F0];
	[tilespmem:$0xC950] =	vst v1  }
0x159: {  	v0 =	vld.idx.msk [tilespmem:v60+s4+$0x0], $0xffff;
	_ =	sdelay $0x3  }
0x15a: {  	v2 =	vshll.u32 v61, $0x5  }
0x15b: {  	v0 =	vadd.s32 v0, v2  }
0x15c: {  	v63 =	vld [tilespmem:$0xC770];
	[tilespmem:$0xC960] =	vst v0  }
0x15d: {  	v1 =	vld.idx.msk [tilespmem:v62+s4+$0x0], $0xffff;
	_ =	sdelay $0x3  }
0x15e: {  	v0 =	vshll.u32 v63, $0x5  }
0x15f: {  	s0 =	simm.s32 $0x200;
	v0 =	vadd.s32 v1, v0  }
.Ltmp7:
0x160: {  	s3 =	simm.s32 $0xC780;
	s5 =	simm.s32 $0xC980;
	[tilespmem:$0xC970] =	vst v0;
	(pc) =	sbr.rel .LBB2_11-.Ltmp7, $4  }
0x161: {  	[spmem:s2] =	stream.indirect.scatter.add.f32 [tilespmem:s5], [sflag:$0x8], $0x1, s3, s0, $0xb8;
	[tilespmem:$0x16820] =	vst v63  }
0x162: {  	_ =	swait.ge [sflag:s1], $0x200  }
0x163: {  	[sflag:s1] =	ssyncset.done $0x0  }
0x164: {  	[sflag:s1] =	ssyncadd.s32 $0xFFFFFE00  }
.LBB2_12:
0x165: {  	_ =	sfence.sel $0x180000  }
0x166: {  	[bflag:$0x0] =	sbarrier.arrive $0xFFFF  }
0x167: {  	_ =	strace $0x90000047  }
0x168: {  	s0 =	stileid.u32;
	[bflag:$0x2] =	sbarrier.arrive $0xFFFF  }
0x169: {  	p0 =	sne.s32 s0, $0x0;
	s0 =	rddreg [dreg:$0x5]  }
0x16a: {  	s0 =	sadd.s32 @!p0 $0x100000, s0  }
0x16b: {  	[sflag:s0] =	ssyncadd.tile.s32 @!p0 $0x1;
	_ =	shalt  }
.Lfunc_end2:
_tile_overlayer_lowered:
.L_overlay_start_2:
0x16c: {  	(tag) =	ssettag $0x2  }
0x16d: {  	s0 =	rddreg [dreg:$0x0];
	s2 =	stileid.u32  }
0x16e: {  	s1 =	rddreg [dreg:$0x1];
	p0 =	sne.s32 s2, $0x0  }
0x16f: {  	s3 =	rddreg [dreg:$0x2];
	[bflag:$0x3] =	sbarrier.arrive $0xFFFF;
	s2 =	simm.s32 @!p0 $0x1C08  }
0x170: {  	[timem:s3], [sflag:s2] =	dma.local @!p0 [hbm:s0], s1  }
0x171: {  	s0 =	simm.s32 @!p0 $0x8  }
0x172: {  	_ =	swait.ge @!p0 [sflag:s0], s1  }
0x173: {  	s1 =	ssub.s32 @!p0 $0x0, s1;
	[sflag:s0] =	ssyncset.done @!p0 $0x0  }
0x174: {  	[sflag:s0] =	ssyncadd.s32 @!p0 s1  }
0x175: {  	[bflag:$0x3] =	sbarrier.arrive $0xFFFF  }
0x176: {  	_ =	shalt  }

</sc_bundles>
